<compile_context>
chip_gen: v7x
topology: tpu7x:2x2x1
jax: 0.10.2.dev20260603
libtpu: 0.0.44.dev20260713+nightly
codegen_flags: <defaults>
</compile_context>

<pallas_src>
import functools

import jax
import jax.numpy as jnp
from jax import lax
from jax.experimental import pallas as pl
from jax.experimental.pallas import tpu as pltpu
from jax.experimental.pallas import tpu_sc as plsc

_B, _H, _W = 16, 512, 512
_N = _B * _H * _W
_ROWS_PER_WORKER = _H // 2
_CHUNKS = _W // 16


def _bcast16(vec, k):
    idx = jnp.broadcast_to(jnp.asarray(k, jnp.int32).reshape(1, 1), (16, 1))
    return lax.gather(
        vec, idx,
        lax.GatherDimensionNumbers(offset_dims=(), collapsed_slice_dims=(0,),
                                   start_index_map=(0,)),
        slice_sizes=(1,),
        mode=lax.GatherScatterMode.PROMISE_IN_BOUNDS)


def _bf16_round(x):
    u = lax.bitcast_convert_type(x, jnp.int32)
    u = u + 0x7FFF + ((u >> 16) & 1)
    return lax.bitcast_convert_type(u & jnp.int32(-65536), jnp.float32)


def _sc_body(theta_hbm, grid_hbm, img_hbm, out_hbm,
             theta_v, grid_v, i00, i01, i10, i11, w00, w01, w10, w11,
             v00, v01, v10, v11, out_v,
             j00, j01, j10, j11, x00, x01, x10, x11,
             u00, u01, u10, u11, out_u, sem, sem_o):
    wid = lax.axis_index("s") * 2 + lax.axis_index("c")
    b = wid // 2
    y0 = (wid % 2) * _ROWS_PER_WORKER
    bbase = b * (_H * _W)

    pltpu.async_copy(theta_hbm, theta_v, sem_o).wait()
    pltpu.async_copy(grid_hbm, grid_v, sem_o).wait()
    trow = theta_v[pl.ds(b * 16, 16)]
    t0, t1, t2 = _bcast16(trow, 0), _bcast16(trow, 1), _bcast16(trow, 2)
    t3, t4, t5 = _bcast16(trow, 3), _bcast16(trow, 4), _bcast16(trow, 5)

    def compute_row(y, bufs):
        iA, iB, iC, iD, wA, wB, wC, wD = bufs[:8]
        ywin = grid_v[pl.ds(y & ~jnp.int32(15), 16)]
        yb = _bcast16(ywin, y & 15)
        cx_row = t1 * yb + t2
        cy_row = t4 * yb + t5

        def chunk_body(j, _):
            xb = grid_v[pl.ds(j * 16, 16)]
            sx = t0 * xb + cx_row
            sy = t3 * xb + cy_row
            rx = _bf16_round(sx) * 256.0 + 256.0
            ry = _bf16_round(sy) * 256.0 + 256.0
            fx = rx.astype(jnp.int32)
            fx = jnp.where(fx.astype(jnp.float32) > rx, fx - 1, fx)
            fy = ry.astype(jnp.int32)
            fy = jnp.where(fy.astype(jnp.float32) > ry, fy - 1, fy)
            cx0 = jnp.clip(fx, 0, _W - 1)
            cx1 = jnp.clip(fx + 1, 0, _W - 1)
            cy0 = jnp.clip(fy, 0, _H - 1)
            cy1 = jnp.clip(fy + 1, 0, _H - 1)
            wx0 = jnp.maximum(0.0, 1.0 - jnp.abs(rx - cx0.astype(jnp.float32)))
            wx1 = jnp.maximum(0.0, 1.0 - jnp.abs(rx - cx1.astype(jnp.float32)))
            wy0 = jnp.maximum(0.0, 1.0 - jnp.abs(ry - cy0.astype(jnp.float32)))
            wy1 = jnp.maximum(0.0, 1.0 - jnp.abs(ry - cy1.astype(jnp.float32)))
            r0 = bbase + cy0 * _W
            r1 = bbase + cy1 * _W
            wsl = pl.ds(j * 16, 16)
            iA[wsl] = r0 + cx0
            iB[wsl] = r0 + cx1
            iC[wsl] = r1 + cx0
            iD[wsl] = r1 + cx1
            wA[wsl] = wx0 * wy0
            wB[wsl] = wx1 * wy0
            wC[wsl] = wx0 * wy1
            wD[wsl] = wx1 * wy1
            return _

        lax.fori_loop(0, _CHUNKS, chunk_body, None)

    def fire(bufs):
        iA, iB, iC, iD = bufs[:4]
        vA, vB, vC, vD = bufs[8:12]
        pltpu.async_copy(img_hbm.at[iA], vA, sem)
        pltpu.async_copy(img_hbm.at[iB], vB, sem)
        pltpu.async_copy(img_hbm.at[iC], vC, sem)
        pltpu.async_copy(img_hbm.at[iD], vD, sem)

    def drain(bufs):
        iA, iB, iC, iD = bufs[:4]
        vA, vB, vC, vD = bufs[8:12]
        pltpu.make_async_copy(img_hbm.at[iA], vA, sem).wait()
        pltpu.make_async_copy(img_hbm.at[iB], vB, sem).wait()
        pltpu.make_async_copy(img_hbm.at[iC], vC, sem).wait()
        pltpu.make_async_copy(img_hbm.at[iD], vD, sem).wait()

    def interp_out(y, bufs):
        wA, wB, wC, wD = bufs[4:8]
        vA, vB, vC, vD = bufs[8:12]
        ov = bufs[12]

        def interp_body(j, _):
            wsl = pl.ds(j * 16, 16)
            acc = (vA[wsl] * wA[wsl] + vB[wsl] * wB[wsl] +
                   vC[wsl] * wC[wsl] + vD[wsl] * wD[wsl])
            ov[wsl] = jnp.clip(acc, 0.0, 1.0)
            return _

        lax.fori_loop(0, _CHUNKS, interp_body, None)
        pltpu.async_copy(ov, out_hbm.at[pl.ds(bbase + y * _W, _W)], sem_o)

    def drain_out(bufs):
        pltpu.make_async_copy(bufs[12], out_hbm.at[pl.ds(0, _W)], sem_o).wait()

    bufsA = (i00, i01, i10, i11, w00, w01, w10, w11, v00, v01, v10, v11, out_v)
    bufsB = (j00, j01, j10, j11, x00, x01, x10, x11, u00, u01, u10, u11, out_u)

    compute_row(y0, bufsA)
    fire(bufsA)

    def pair_body(g, _):
        r0 = y0 + 2 * g
        compute_row(r0 + 1, bufsB)
        fire(bufsB)
        drain(bufsA)

        @pl.when(g > 0)
        def _():
            drain_out(bufsA)

        interp_out(r0, bufsA)

        @pl.when(g < _ROWS_PER_WORKER // 2 - 1)
        def _():
            compute_row(r0 + 2, bufsA)
            fire(bufsA)

        drain(bufsB)

        @pl.when(g > 0)
        def _():
            drain_out(bufsB)

        interp_out(r0 + 1, bufsB)
        return _

    lax.fori_loop(0, _ROWS_PER_WORKER // 2, pair_body, None)
    drain_out(bufsA)
    drain_out(bufsB)


def kernel(theta, image):
    theta_b = theta.astype(jnp.bfloat16).astype(jnp.float32)
    theta_flat = jnp.pad(theta_b, ((0, 0), (0, 10))).reshape(-1)
    grid = jnp.linspace(-1.0, 1.0, _W).astype(jnp.bfloat16).astype(jnp.float32)
    img_flat = image.reshape(-1)
    mesh = plsc.VectorSubcoreMesh(core_axis_name="c", subcore_axis_name="s")
    run = functools.partial(
        pl.kernel,
        mesh=mesh,
        out_type=jax.ShapeDtypeStruct((_N,), jnp.float32),
        scratch_types=[
            pltpu.VMEM((_B * 16,), jnp.float32),
            pltpu.VMEM((_W,), jnp.float32),
            pltpu.VMEM((_W,), jnp.int32),
            pltpu.VMEM((_W,), jnp.int32),
            pltpu.VMEM((_W,), jnp.int32),
            pltpu.VMEM((_W,), jnp.int32),
            pltpu.VMEM((_W,), jnp.float32),
            pltpu.VMEM((_W,), jnp.float32),
            pltpu.VMEM((_W,), jnp.float32),
            pltpu.VMEM((_W,), jnp.float32),
            pltpu.VMEM((_W,), jnp.float32),
            pltpu.VMEM((_W,), jnp.float32),
            pltpu.VMEM((_W,), jnp.float32),
            pltpu.VMEM((_W,), jnp.float32),
            pltpu.VMEM((_W,), jnp.float32),
            pltpu.VMEM((_W,), jnp.int32),
            pltpu.VMEM((_W,), jnp.int32),
            pltpu.VMEM((_W,), jnp.int32),
            pltpu.VMEM((_W,), jnp.int32),
            pltpu.VMEM((_W,), jnp.float32),
            pltpu.VMEM((_W,), jnp.float32),
            pltpu.VMEM((_W,), jnp.float32),
            pltpu.VMEM((_W,), jnp.float32),
            pltpu.VMEM((_W,), jnp.float32),
            pltpu.VMEM((_W,), jnp.float32),
            pltpu.VMEM((_W,), jnp.float32),
            pltpu.VMEM((_W,), jnp.float32),
            pltpu.VMEM((_W,), jnp.float32),
            pltpu.SemaphoreType.DMA,
            pltpu.SemaphoreType.DMA,
        ],
    )(_sc_body)
    out = run(theta_flat, grid, img_flat)
    return out.reshape(image.shape)

# --- scband reference (transcript-rebuilt; emitter-appended) ---
"""Pipeline reference for scband-affine-transformation-52158082842913 (READ-ONLY COPY).

The authoritative reference and input builder live on the scoring server;
editing this copy changes nothing except your own understanding.
"""

import jax, jax.numpy as jnp
import numpy as np


def setup_inputs(seed: int = 0) -> dict:
    key = jax.random.key(seed)
    k1, k2 = jax.random.split(key)
    theta = jax.random.normal(k1, (16, 6), dtype=jnp.float32)
    image = jax.random.uniform(k2, (16, 512, 512, 1), dtype=jnp.float32)
    return {"theta": theta, "image": image}


def _affine_forward(theta, image):
    B = theta.shape[0]
    rows, cols = image.shape[1], image.shape[2]
    # build target grid (as in build())
    x_coords = jnp.linspace(-1.0, 1.0, cols)
    y_coords = jnp.linspace(-1.0, 1.0, rows)
    x_grid, y_grid = jnp.meshgrid(x_coords, y_coords)  # 'xy' indexing, same as tf
    target_grid = jnp.stack([x_grid, y_grid, jnp.ones_like(x_grid)])
    target_vectors = target_grid.reshape(3, -1)  # [3, HW]
    rows_f = float(rows)
    cols_f = float(cols)
    rescaling_matrix = jnp.array(
        [[(cols_f - 1) / 2.0, 0.0, (cols_f - 1) / 2.0],
         [0.0, (rows_f - 1) / 2.0, (rows_f - 1) / 2.0],
         [0.0, 0.0, 1.0]], dtype=jnp.float32)
    clip_zero = jnp.array([0.0, 0.0, 0.0], dtype=jnp.float32)
    clip_max = jnp.array([cols_f - 1.0, rows_f - 1.0, 1.0], dtype=jnp.float32)
    shift_vectors = jnp.array([[0, 1, 1], [1, 0, 1], [0, 0, 0]], dtype=jnp.float32)

    # call()
    bottom_row = jnp.tile(jnp.array([[0.0, 0.0, 1.0]], dtype=jnp.float32), (B, 1))
    theta_full = jnp.concatenate([theta, bottom_row], axis=1)
    affine = theta_full.reshape(-1, 3, 3)
    source_vectors = jnp.matmul(affine, target_vectors)  # [B, 3, HW]

    # _sampling_kernel()
    source_rescaled = jnp.matmul(rescaling_matrix[None, :, :], source_vectors)  # [B,3,HW]
    source_index = jnp.floor(source_rescaled)
    neighbors = []
    for i in range(3):
        shift = shift_vectors[:, i:i + 1][None, :, :]  # [1,3,1]
        neighbors.append(source_index + shift)
    neighbors.append(source_index)
    neighbors = jnp.stack(neighbors, axis=-1)  # [B,3,HW,4]
    neighbors = jnp.clip(neighbors, clip_zero.reshape(1, 3, 1, 1), clip_max.reshape(1, 3, 1, 1))
    source_rescaled2 = source_rescaled[:, 0:2, :]
    neighbors2 = neighbors[:, 0:2, :, :]
    indices = neighbors2.astype(jnp.int32)  # [B,2,HW,4]
    deltas = jnp.maximum(0.0, 1.0 - jnp.abs(source_rescaled2[..., None] - neighbors2))
    interp_coefs = jnp.prod(deltas, axis=1)  # [B,HW,4]

    col_indices = indices[:, 0]  # [B,HW,4]
    row_indices = indices[:, 1]  # [B,HW,4]
    batch_idx = jnp.arange(B)[:, None]
    pixel_neighbors = []
    for i in range(4):
        r = row_indices[:, :, i]  # [B,HW]
        c = col_indices[:, :, i]  # [B,HW]
        p = image[batch_idx, r, c]  # [B,HW,C]
        pixel_neighbors.append(p)
    pixel_neighbors = jnp.concatenate(pixel_neighbors, axis=-1)  # [B,HW,4] (C=1)
    interpolated = pixel_neighbors.astype(jnp.float32) * interp_coefs
    interpolated = jnp.sum(interpolated, axis=-1)
    interpolated = interpolated.reshape(image.shape)
    return jnp.clip(interpolated, 0.0, 1.0)


def reference(theta, image):
    return _affine_forward(theta, image)

if __name__ == "__main__":
    import jax
    _d = setup_inputs()
    print(jax.jit(kernel)(*tuple(_d.values())))

</pallas_src>

<mosaic_0001>
#map = affine_map<(d0, d1) -> (0)>
module attributes {stable_mosaic.version = 14 : i64} {
  func.func @_sc_body(%arg0: i32, %arg1: i32, %arg2: memref<256xf32, #tpu.memory_space<hbm>>, %arg3: memref<512xf32, #tpu.memory_space<hbm>>, %arg4: memref<4194304xf32, #tpu.memory_space<hbm>>, %arg5: memref<4194304xf32, #tpu.memory_space<hbm>>, %arg6: memref<256xf32, #tpu.memory_space<vmem>>, %arg7: memref<512xf32, #tpu.memory_space<vmem>>, %arg8: memref<512xi32, #tpu.memory_space<vmem>>, %arg9: memref<512xi32, #tpu.memory_space<vmem>>, %arg10: memref<512xi32, #tpu.memory_space<vmem>>, %arg11: memref<512xi32, #tpu.memory_space<vmem>>, %arg12: memref<512xf32, #tpu.memory_space<vmem>>, %arg13: memref<512xf32, #tpu.memory_space<vmem>>, %arg14: memref<512xf32, #tpu.memory_space<vmem>>, %arg15: memref<512xf32, #tpu.memory_space<vmem>>, %arg16: memref<512xf32, #tpu.memory_space<vmem>>, %arg17: memref<512xf32, #tpu.memory_space<vmem>>, %arg18: memref<512xf32, #tpu.memory_space<vmem>>, %arg19: memref<512xf32, #tpu.memory_space<vmem>>, %arg20: memref<512xf32, #tpu.memory_space<vmem>>, %arg21: memref<512xi32, #tpu.memory_space<vmem>>, %arg22: memref<512xi32, #tpu.memory_space<vmem>>, %arg23: memref<512xi32, #tpu.memory_space<vmem>>, %arg24: memref<512xi32, #tpu.memory_space<vmem>>, %arg25: memref<512xf32, #tpu.memory_space<vmem>>, %arg26: memref<512xf32, #tpu.memory_space<vmem>>, %arg27: memref<512xf32, #tpu.memory_space<vmem>>, %arg28: memref<512xf32, #tpu.memory_space<vmem>>, %arg29: memref<512xf32, #tpu.memory_space<vmem>>, %arg30: memref<512xf32, #tpu.memory_space<vmem>>, %arg31: memref<512xf32, #tpu.memory_space<vmem>>, %arg32: memref<512xf32, #tpu.memory_space<vmem>>, %arg33: memref<512xf32, #tpu.memory_space<vmem>>, %arg34: memref<!tpu.dma_semaphore, #tpu.memory_space<semaphore_mem>>, %arg35: memref<!tpu.dma_semaphore, #tpu.memory_space<semaphore_mem>>) attributes {dimension_semantics = [#tpu.dimension_semantics<core_parallel>, #tpu.dimension_semantics<subcore_parallel>], iteration_bounds = array<i64: 2, 16>, scalar_prefetch = 0 : i64, scratch_operands = 30 : i64, tpu.core_type = #tpu.core_type<sc_vector_subcore>, window_params = [{transform_indices = #map}, {transform_indices = #map}, {transform_indices = #map}, {transform_indices = #map}]} {
    %mul3A = arith.constant 2 : i32
    %mul3A_0 = arith.muli %arg1, %mul3A : i32
    %add3A = arith.addi %mul3A_0, %arg0 : i32
    %jit3A = arith.constant 2 : i32
    %div3A = arith.divsi %add3A, %jit3A : i32
    %sign3A = arith.constant 0 : i32
    %sign3A_1 = arith.cmpi sgt, %add3A, %sign3A : i32
    %sign3A_2 = arith.extui %sign3A_1 : i1 to i32
    %sign3A_3 = arith.constant 0 : i32
    %sign3A_4 = arith.cmpi slt, %add3A, %sign3A_3 : i32
    %sign3A_5 = arith.extui %sign3A_4 : i1 to i32
    %sign3A_6 = arith.subi %sign3A_2, %sign3A_5 : i32
    %sign3A_7 = arith.constant 0 : i32
    %sign3A_8 = arith.cmpi sgt, %jit3A, %sign3A_7 : i32
    %sign3A_9 = arith.extui %sign3A_8 : i1 to i32
    %sign3A_10 = arith.constant 0 : i32
    %sign3A_11 = arith.cmpi slt, %jit3A, %sign3A_10 : i32
    %sign3A_12 = arith.extui %sign3A_11 : i1 to i32
    %sign3A_13 = arith.subi %sign3A_9, %sign3A_12 : i32
    %ne3A = arith.cmpi ne, %sign3A_6, %sign3A_13 : i32
    %rem3A = arith.remsi %add3A, %jit3A : i32
    %ne3A_14 = arith.constant 0 : i32
    %ne3A_15 = arith.cmpi ne, %rem3A, %ne3A_14 : i32
    %and3A = arith.andi %ne3A, %ne3A_15 : i1
    %sub3A = arith.constant 1 : i32
    %sub3A_16 = arith.subi %div3A, %sub3A : i32
    %select_n3A = arith.select %and3A, %sub3A_16, %div3A : i32
    %jit3A_17 = arith.constant 2 : i32
    %eq3A = arith.constant 0 : i32
    %eq3A_18 = arith.cmpi eq, %jit3A_17, %eq3A : i32
    %jit3A_19 = arith.constant 1 : i32
    %select_n3A_20 = arith.select %eq3A_18, %jit3A_19, %jit3A_17 : i32
    %rem3A_21 = arith.remsi %add3A, %select_n3A_20 : i32
    %ne3A_22 = arith.constant 0 : i32
    %ne3A_23 = arith.cmpi ne, %rem3A_21, %ne3A_22 : i32
    %lt3A = arith.constant 0 : i32
    %lt3A_24 = arith.cmpi slt, %rem3A_21, %lt3A : i32
    %lt3A_25 = arith.constant 0 : i32
    %lt3A_26 = arith.cmpi slt, %select_n3A_20, %lt3A_25 : i32
    %ne3A_27 = arith.xori %lt3A_24, %lt3A_26 : i1
    %and3A_28 = arith.andi %ne3A_27, %ne3A_23 : i1
    %add3A_29 = arith.addi %rem3A_21, %select_n3A_20 : i32
    %select_n3A_30 = arith.select %and3A_28, %add3A_29, %rem3A_21 : i32
    %mul3A_31 = arith.constant 256 : i32
    %mul3A_32 = arith.muli %select_n3A_30, %mul3A_31 : i32
    %mul3A_33 = arith.constant 262144 : i32
    %mul3A_34 = arith.muli %select_n3A, %mul3A_33 : i32
    tpu.enqueue_dma source(%arg2 : memref<256xf32, #tpu.memory_space<hbm>>) target(%arg6 : memref<256xf32, #tpu.memory_space<vmem>>) target_semaphore(%arg35 : memref<!tpu.dma_semaphore, #tpu.memory_space<semaphore_mem>>)
    tpu.wait_dma2 semaphore(%arg35 : memref<!tpu.dma_semaphore, #tpu.memory_space<semaphore_mem>>) src(%arg2 : memref<256xf32, #tpu.memory_space<hbm>>) dst(%arg6 : memref<256xf32, #tpu.memory_space<vmem>>)
    tpu.enqueue_dma source(%arg3 : memref<512xf32, #tpu.memory_space<hbm>>) target(%arg7 : memref<512xf32, #tpu.memory_space<vmem>>) target_semaphore(%arg35 : memref<!tpu.dma_semaphore, #tpu.memory_space<semaphore_mem>>)
    tpu.wait_dma2 semaphore(%arg35 : memref<!tpu.dma_semaphore, #tpu.memory_space<semaphore_mem>>) src(%arg3 : memref<512xf32, #tpu.memory_space<hbm>>) dst(%arg7 : memref<512xf32, #tpu.memory_space<vmem>>)
    %mul3A_35 = arith.constant 16 : i32
    %mul3A_36 = arith.muli %select_n3A, %mul3A_35 : i32
    %get3A = arith.index_cast %mul3A_36 : i32 to index
    %get3A_37 = tpu.vector_load %arg6[%get3A] {strides = array<i32>} : memref<256xf32, #tpu.memory_space<vmem>>, vector<16xf32>,
    %get3A_38 = vector.shape_cast %get3A_37 : vector<16xf32> to vector<16xf32>
    %reshape3A = arith.constant 0 : i32
    %reshape3A_39 = vector.broadcast %reshape3A : i32 to vector<1x1xi32>
    %broadcast_in_dim3A = vector.shape_cast %reshape3A_39 : vector<1x1xi32> to vector<1x1xi32>
    %broadcast_in_dim3A_40 = vector.broadcast %broadcast_in_dim3A : vector<1x1xi32> to vector<16x1xi32>
    %gather3A = vector.shape_cast %broadcast_in_dim3A_40 : vector<16x1xi32> to vector<16xi32>
    %gather3A_41 = tpu.dynamic_gather %get3A_38[%gather3A] in [0] : vector<16xf32>, vector<16xi32> -> vector<16xf32>
    %reshape3A_42 = arith.constant 1 : i32
    %reshape3A_43 = vector.broadcast %reshape3A_42 : i32 to vector<1x1xi32>
    %broadcast_in_dim3A_44 = vector.shape_cast %reshape3A_43 : vector<1x1xi32> to vector<1x1xi32>
    %broadcast_in_dim3A_45 = vector.broadcast %broadcast_in_dim3A_44 : vector<1x1xi32> to vector<16x1xi32>
    %gather3A_46 = vector.shape_cast %broadcast_in_dim3A_45 : vector<16x1xi32> to vector<16xi32>
    %gather3A_47 = tpu.dynamic_gather %get3A_38[%gather3A_46] in [0] : vector<16xf32>, vector<16xi32> -> vector<16xf32>
    %reshape3A_48 = arith.constant 2 : i32
    %reshape3A_49 = vector.broadcast %reshape3A_48 : i32 to vector<1x1xi32>
    %broadcast_in_dim3A_50 = vector.shape_cast %reshape3A_49 : vector<1x1xi32> to vector<1x1xi32>
    %broadcast_in_dim3A_51 = vector.broadcast %broadcast_in_dim3A_50 : vector<1x1xi32> to vector<16x1xi32>
    %gather3A_52 = vector.shape_cast %broadcast_in_dim3A_51 : vector<16x1xi32> to vector<16xi32>
    %gather3A_53 = tpu.dynamic_gather %get3A_38[%gather3A_52] in [0] : vector<16xf32>, vector<16xi32> -> vector<16xf32>
    %reshape3A_54 = arith.constant 3 : i32
    %reshape3A_55 = vector.broadcast %reshape3A_54 : i32 to vector<1x1xi32>
    %broadcast_in_dim3A_56 = vector.shape_cast %reshape3A_55 : vector<1x1xi32> to vector<1x1xi32>
    %broadcast_in_dim3A_57 = vector.broadcast %broadcast_in_dim3A_56 : vector<1x1xi32> to vector<16x1xi32>
    %gather3A_58 = vector.shape_cast %broadcast_in_dim3A_57 : vector<16x1xi32> to vector<16xi32>
    %gather3A_59 = tpu.dynamic_gather %get3A_38[%gather3A_58] in [0] : vector<16xf32>, vector<16xi32> -> vector<16xf32>
    %reshape3A_60 = arith.constant 4 : i32
    %reshape3A_61 = vector.broadcast %reshape3A_60 : i32 to vector<1x1xi32>
    %broadcast_in_dim3A_62 = vector.shape_cast %reshape3A_61 : vector<1x1xi32> to vector<1x1xi32>
    %broadcast_in_dim3A_63 = vector.broadcast %broadcast_in_dim3A_62 : vector<1x1xi32> to vector<16x1xi32>
    %gather3A_64 = vector.shape_cast %broadcast_in_dim3A_63 : vector<16x1xi32> to vector<16xi32>
    %gather3A_65 = tpu.dynamic_gather %get3A_38[%gather3A_64] in [0] : vector<16xf32>, vector<16xi32> -> vector<16xf32>
    %reshape3A_66 = arith.constant 5 : i32
    %reshape3A_67 = vector.broadcast %reshape3A_66 : i32 to vector<1x1xi32>
    %broadcast_in_dim3A_68 = vector.shape_cast %reshape3A_67 : vector<1x1xi32> to vector<1x1xi32>
    %broadcast_in_dim3A_69 = vector.broadcast %broadcast_in_dim3A_68 : vector<1x1xi32> to vector<16x1xi32>
    %gather3A_70 = vector.shape_cast %broadcast_in_dim3A_69 : vector<16x1xi32> to vector<16xi32>
    %gather3A_71 = tpu.dynamic_gather %get3A_38[%gather3A_70] in [0] : vector<16xf32>, vector<16xi32> -> vector<16xf32>
    %not3A = arith.constant 15 : i32
    %not3A_72 = arith.constant -1 : i32
    %not3A_73 = arith.xori %not3A, %not3A_72 : i32
    %and3A_74 = arith.andi %mul3A_32, %not3A_73 : i32
    %get3A_75 = arith.index_cast %and3A_74 : i32 to index
    %get3A_76 = tpu.vector_load %arg7[%get3A_75] {strides = array<i32>} : memref<512xf32, #tpu.memory_space<vmem>>, vector<16xf32>,
    %get3A_77 = vector.shape_cast %get3A_76 : vector<16xf32> to vector<16xf32>
    %and3A_78 = arith.constant 15 : i32
    %and3A_79 = arith.andi %mul3A_32, %and3A_78 : i32
    %reshape3A_80 = vector.broadcast %and3A_79 : i32 to vector<1x1xi32>
    %broadcast_in_dim3A_81 = vector.shape_cast %reshape3A_80 : vector<1x1xi32> to vector<1x1xi32>
    %broadcast_in_dim3A_82 = vector.broadcast %broadcast_in_dim3A_81 : vector<1x1xi32> to vector<16x1xi32>
    %gather3A_83 = vector.shape_cast %broadcast_in_dim3A_82 : vector<16x1xi32> to vector<16xi32>
    %gather3A_84 = tpu.dynamic_gather %get3A_77[%gather3A_83] in [0] : vector<16xf32>, vector<16xi32> -> vector<16xf32>
    %mul3A_85 = arith.mulf %gather3A_47, %gather3A_84 : vector<16xf32>
    %add3A_86 = arith.addf %mul3A_85, %gather3A_53 : vector<16xf32>
    %mul3A_87 = arith.mulf %gather3A_65, %gather3A_84 : vector<16xf32>
    %add3A_88 = arith.addf %mul3A_87, %gather3A_71 : vector<16xf32>
    %scan3A = arith.constant 0 : i32
    %scan3A_89 = arith.constant 32 : i32
    %scan3A_90 = arith.addi %scan3A, %scan3A_89 : i32
    %scan3A_91 = arith.constant 1 : i32
    scf.for %scan3A_112 = %scan3A to %scan3A_90 step %scan3A_91  : i32 {
      %mul3A_113 = arith.constant 16 : i32
      %mul3A_114 = arith.muli %scan3A_112, %mul3A_113 : i32
      %get3A_115 = arith.index_cast %mul3A_114 : i32 to index
      %get3A_116 = tpu.vector_load %arg7[%get3A_115] {strides = array<i32>} : memref<512xf32, #tpu.memory_space<vmem>>, vector<16xf32>,
      %get3A_117 = vector.shape_cast %get3A_116 : vector<16xf32> to vector<16xf32>
      %mul3A_118 = arith.mulf %gather3A_41, %get3A_117 : vector<16xf32>
      %add3A_119 = arith.addf %mul3A_118, %add3A_86 : vector<16xf32>
      %mul3A_120 = arith.mulf %gather3A_59, %get3A_117 : vector<16xf32>
      %add3A_121 = arith.addf %mul3A_120, %add3A_88 : vector<16xf32>
      %bitcast_convert_type3A = tpu.bitcast %add3A_119 : vector<16xf32> -> vector<16xi32>
      %add3A_122 = arith.constant 32767 : i32
      %add3A_123 = vector.broadcast %add3A_122 : i32 to vector<16xi32>
      %add3A_124 = arith.addi %bitcast_convert_type3A, %add3A_123 : vector<16xi32>
      %shift_right_arithmetic3A = arith.constant 16 : i32
      %shift_right_arithmetic3A_125 = vector.broadcast %shift_right_arithmetic3A : i32 to vector<16xi32>
      %shift_right_arithmetic3A_126 = arith.shrsi %bitcast_convert_type3A, %shift_right_arithmetic3A_125 : vector<16xi32>
      %and3A_127 = arith.constant 1 : i32
      %and3A_128 = vector.broadcast %and3A_127 : i32 to vector<16xi32>
      %and3A_129 = arith.andi %shift_right_arithmetic3A_126, %and3A_128 : vector<16xi32>
      %add3A_130 = arith.addi %add3A_124, %and3A_129 : vector<16xi32>
      %and3A_131 = arith.constant -65536 : i32
      %and3A_132 = vector.broadcast %and3A_131 : i32 to vector<16xi32>
      %and3A_133 = arith.andi %add3A_130, %and3A_132 : vector<16xi32>
      %bitcast_convert_type3A_134 = tpu.bitcast %and3A_133 : vector<16xi32> -> vector<16xf32>
      %mul3A_135 = arith.constant 2.560000e+02 : f32
      %mul3A_136 = vector.broadcast %mul3A_135 : f32 to vector<16xf32>
      %mul3A_137 = arith.mulf %bitcast_convert_type3A_134, %mul3A_136 : vector<16xf32>
      %add3A_138 = arith.constant 2.560000e+02 : f32
      %add3A_139 = vector.broadcast %add3A_138 : f32 to vector<16xf32>
      %add3A_140 = arith.addf %mul3A_137, %add3A_139 : vector<16xf32>
      %bitcast_convert_type3A_141 = tpu.bitcast %add3A_121 : vector<16xf32> -> vector<16xi32>
      %add3A_142 = arith.constant 32767 : i32
      %add3A_143 = vector.broadcast %add3A_142 : i32 to vector<16xi32>
      %add3A_144 = arith.addi %bitcast_convert_type3A_141, %add3A_143 : vector<16xi32>
      %shift_right_arithmetic3A_145 = arith.constant 16 : i32
      %shift_right_arithmetic3A_146 = vector.broadcast %shift_right_arithmetic3A_145 : i32 to vector<16xi32>
      %shift_right_arithmetic3A_147 = arith.shrsi %bitcast_convert_type3A_141, %shift_right_arithmetic3A_146 : vector<16xi32>
      %and3A_148 = arith.constant 1 : i32
      %and3A_149 = vector.broadcast %and3A_148 : i32 to vector<16xi32>
      %and3A_150 = arith.andi %shift_right_arithmetic3A_147, %and3A_149 : vector<16xi32>
      %add3A_151 = arith.addi %add3A_144, %and3A_150 : vector<16xi32>
      %and3A_152 = arith.constant -65536 : i32
      %and3A_153 = vector.broadcast %and3A_152 : i32 to vector<16xi32>
      %and3A_154 = arith.andi %add3A_151, %and3A_153 : vector<16xi32>
      %bitcast_convert_type3A_155 = tpu.bitcast %and3A_154 : vector<16xi32> -> vector<16xf32>
      %mul3A_156 = arith.constant 2.560000e+02 : f32
      %mul3A_157 = vector.broadcast %mul3A_156 : f32 to vector<16xf32>
      %mul3A_158 = arith.mulf %bitcast_convert_type3A_155, %mul3A_157 : vector<16xf32>
      %add3A_159 = arith.constant 2.560000e+02 : f32
      %add3A_160 = vector.broadcast %add3A_159 : f32 to vector<16xf32>
      %add3A_161 = arith.addf %mul3A_158, %add3A_160 : vector<16xf32>
      %convert_element_type3A = arith.fptosi %add3A_140 : vector<16xf32> to vector<16xi32>
      %convert_element_type3A_162 = arith.sitofp %convert_element_type3A : vector<16xi32> to vector<16xf32>
      %gt3A = arith.cmpf ogt, %convert_element_type3A_162, %add3A_140 : vector<16xf32>
      %sub3A_163 = arith.constant 1 : i32
      %sub3A_164 = vector.broadcast %sub3A_163 : i32 to vector<16xi32>
      %sub3A_165 = arith.subi %convert_element_type3A, %sub3A_164 : vector<16xi32>
      %select_n3A_166 = arith.select %gt3A, %sub3A_165, %convert_element_type3A : vector<16xi1>, vector<16xi32>
      %convert_element_type3A_167 = arith.fptosi %add3A_161 : vector<16xf32> to vector<16xi32>
      %convert_element_type3A_168 = arith.sitofp %convert_element_type3A_167 : vector<16xi32> to vector<16xf32>
      %gt3A_169 = arith.cmpf ogt, %convert_element_type3A_168, %add3A_161 : vector<16xf32>
      %sub3A_170 = arith.constant 1 : i32
      %sub3A_171 = vector.broadcast %sub3A_170 : i32 to vector<16xi32>
      %sub3A_172 = arith.subi %convert_element_type3A_167, %sub3A_171 : vector<16xi32>
      %select_n3A_173 = arith.select %gt3A_169, %sub3A_172, %convert_element_type3A_167 : vector<16xi1>, vector<16xi32>
      %jit3A_174 = arith.constant 0 : i32
      %jit3A_175 = arith.constant 511 : i32
      %max3A = vector.broadcast %jit3A_174 : i32 to vector<16xi32>
      %max3A_176 = arith.maxsi %max3A, %select_n3A_166 : vector<16xi32>
      %min3A = vector.broadcast %jit3A_175 : i32 to vector<16xi32>
      %min3A_177 = arith.minsi %min3A, %max3A_176 : vector<16xi32>
      %add3A_178 = arith.constant 1 : i32
      %add3A_179 = vector.broadcast %add3A_178 : i32 to vector<16xi32>
      %add3A_180 = arith.addi %select_n3A_166, %add3A_179 : vector<16xi32>
      %jit3A_181 = arith.constant 0 : i32
      %jit3A_182 = arith.constant 511 : i32
      %max3A_183 = vector.broadcast %jit3A_181 : i32 to vector<16xi32>
      %max3A_184 = arith.maxsi %max3A_183, %add3A_180 : vector<16xi32>
      %min3A_185 = vector.broadcast %jit3A_182 : i32 to vector<16xi32>
      %min3A_186 = arith.minsi %min3A_185, %max3A_184 : vector<16xi32>
      %jit3A_187 = arith.constant 0 : i32
      %jit3A_188 = arith.constant 511 : i32
      %max3A_189 = vector.broadcast %jit3A_187 : i32 to vector<16xi32>
      %max3A_190 = arith.maxsi %max3A_189, %select_n3A_173 : vector<16xi32>
      %min3A_191 = vector.broadcast %jit3A_188 : i32 to vector<16xi32>
      %min3A_192 = arith.minsi %min3A_191, %max3A_190 : vector<16xi32>
      %add3A_193 = arith.constant 1 : i32
      %add3A_194 = vector.broadcast %add3A_193 : i32 to vector<16xi32>
      %add3A_195 = arith.addi %select_n3A_173, %add3A_194 : vector<16xi32>
      %jit3A_196 = arith.constant 0 : i32
      %jit3A_197 = arith.constant 511 : i32
      %max3A_198 = vector.broadcast %jit3A_196 : i32 to vector<16xi32>
      %max3A_199 = arith.maxsi %max3A_198, %add3A_195 : vector<16xi32>
      %min3A_200 = vector.broadcast %jit3A_197 : i32 to vector<16xi32>
      %min3A_201 = arith.minsi %min3A_200, %max3A_199 : vector<16xi32>
      %convert_element_type3A_202 = arith.sitofp %min3A_177 : vector<16xi32> to vector<16xf32>
      %sub3A_203 = arith.subf %add3A_140, %convert_element_type3A_202 : vector<16xf32>
      %abs3A = math.absf %sub3A_203 : vector<16xf32>
      %sub3A_204 = arith.constant 1.000000e+00 : f32
      %sub3A_205 = vector.broadcast %sub3A_204 : f32 to vector<16xf32>
      %sub3A_206 = arith.subf %sub3A_205, %abs3A : vector<16xf32>
      %max3A_207 = arith.constant 0.000000e+00 : f32
      %max3A_208 = vector.broadcast %max3A_207 : f32 to vector<16xf32>
      %max3A_209 = arith.maximumf %max3A_208, %sub3A_206 : vector<16xf32>
      %convert_element_type3A_210 = arith.sitofp %min3A_186 : vector<16xi32> to vector<16xf32>
      %sub3A_211 = arith.subf %add3A_140, %convert_element_type3A_210 : vector<16xf32>
      %abs3A_212 = math.absf %sub3A_211 : vector<16xf32>
      %sub3A_213 = arith.constant 1.000000e+00 : f32
      %sub3A_214 = vector.broadcast %sub3A_213 : f32 to vector<16xf32>
      %sub3A_215 = arith.subf %sub3A_214, %abs3A_212 : vector<16xf32>
      %max3A_216 = arith.constant 0.000000e+00 : f32
      %max3A_217 = vector.broadcast %max3A_216 : f32 to vector<16xf32>
      %max3A_218 = arith.maximumf %max3A_217, %sub3A_215 : vector<16xf32>
      %convert_element_type3A_219 = arith.sitofp %min3A_192 : vector<16xi32> to vector<16xf32>
      %sub3A_220 = arith.subf %add3A_161, %convert_element_type3A_219 : vector<16xf32>
      %abs3A_221 = math.absf %sub3A_220 : vector<16xf32>
      %sub3A_222 = arith.constant 1.000000e+00 : f32
      %sub3A_223 = vector.broadcast %sub3A_222 : f32 to vector<16xf32>
      %sub3A_224 = arith.subf %sub3A_223, %abs3A_221 : vector<16xf32>
      %max3A_225 = arith.constant 0.000000e+00 : f32
      %max3A_226 = vector.broadcast %max3A_225 : f32 to vector<16xf32>
      %max3A_227 = arith.maximumf %max3A_226, %sub3A_224 : vector<16xf32>
      %convert_element_type3A_228 = arith.sitofp %min3A_201 : vector<16xi32> to vector<16xf32>
      %sub3A_229 = arith.subf %add3A_161, %convert_element_type3A_228 : vector<16xf32>
      %abs3A_230 = math.absf %sub3A_229 : vector<16xf32>
      %sub3A_231 = arith.constant 1.000000e+00 : f32
      %sub3A_232 = vector.broadcast %sub3A_231 : f32 to vector<16xf32>
      %sub3A_233 = arith.subf %sub3A_232, %abs3A_230 : vector<16xf32>
      %max3A_234 = arith.constant 0.000000e+00 : f32
      %max3A_235 = vector.broadcast %max3A_234 : f32 to vector<16xf32>
      %max3A_236 = arith.maximumf %max3A_235, %sub3A_233 : vector<16xf32>
      %mul3A_237 = arith.constant 512 : i32
      %mul3A_238 = vector.broadcast %mul3A_237 : i32 to vector<16xi32>
      %mul3A_239 = arith.muli %min3A_192, %mul3A_238 : vector<16xi32>
      %add3A_240 = vector.broadcast %mul3A_34 : i32 to vector<16xi32>
      %add3A_241 = arith.addi %add3A_240, %mul3A_239 : vector<16xi32>
      %mul3A_242 = arith.constant 512 : i32
      %mul3A_243 = vector.broadcast %mul3A_242 : i32 to vector<16xi32>
      %mul3A_244 = arith.muli %min3A_201, %mul3A_243 : vector<16xi32>
      %add3A_245 = vector.broadcast %mul3A_34 : i32 to vector<16xi32>
      %add3A_246 = arith.addi %add3A_245, %mul3A_244 : vector<16xi32>
      %mul3A_247 = arith.constant 16 : i32
      %mul3A_248 = arith.muli %scan3A_112, %mul3A_247 : i32
      %add3A_249 = arith.addi %add3A_241, %min3A_177 : vector<16xi32>
      %swap3A = arith.index_cast %mul3A_248 : i32 to index
      %swap3A_250 = tpu.vector_load %arg8[%swap3A] {strides = array<i32>} : memref<512xi32, #tpu.memory_space<vmem>>, vector<16xi32>,
      %swap3A_251 = vector.shape_cast %swap3A_250 : vector<16xi32> to vector<16xi32>
      %swap3A_252 = vector.shape_cast %add3A_249 : vector<16xi32> to vector<16xi32>
      tpu.vector_store %arg8[%swap3A], %swap3A_252 {strides = array<i32>} : memref<512xi32, #tpu.memory_space<vmem>>, vector<16xi32>,
      %add3A_253 = arith.addi %add3A_241, %min3A_186 : vector<16xi32>
      %swap3A_254 = arith.index_cast %mul3A_248 : i32 to index
      %swap3A_255 = tpu.vector_load %arg9[%swap3A_254] {strides = array<i32>} : memref<512xi32, #tpu.memory_space<vmem>>, vector<16xi32>,
      %swap3A_256 = vector.shape_cast %swap3A_255 : vector<16xi32> to vector<16xi32>
      %swap3A_257 = vector.shape_cast %add3A_253 : vector<16xi32> to vector<16xi32>
      tpu.vector_store %arg9[%swap3A_254], %swap3A_257 {strides = array<i32>} : memref<512xi32, #tpu.memory_space<vmem>>, vector<16xi32>,
      %add3A_258 = arith.addi %add3A_246, %min3A_177 : vector<16xi32>
      %swap3A_259 = arith.index_cast %mul3A_248 : i32 to index
      %swap3A_260 = tpu.vector_load %arg10[%swap3A_259] {strides = array<i32>} : memref<512xi32, #tpu.memory_space<vmem>>, vector<16xi32>,
      %swap3A_261 = vector.shape_cast %swap3A_260 : vector<16xi32> to vector<16xi32>
      %swap3A_262 = vector.shape_cast %add3A_258 : vector<16xi32> to vector<16xi32>
      tpu.vector_store %arg10[%swap3A_259], %swap3A_262 {strides = array<i32>} : memref<512xi32, #tpu.memory_space<vmem>>, vector<16xi32>,
      %add3A_263 = arith.addi %add3A_246, %min3A_186 : vector<16xi32>
      %swap3A_264 = arith.index_cast %mul3A_248 : i32 to index
      %swap3A_265 = tpu.vector_load %arg11[%swap3A_264] {strides = array<i32>} : memref<512xi32, #tpu.memory_space<vmem>>, vector<16xi32>,
      %swap3A_266 = vector.shape_cast %swap3A_265 : vector<16xi32> to vector<16xi32>
      %swap3A_267 = vector.shape_cast %add3A_263 : vector<16xi32> to vector<16xi32>
      tpu.vector_store %arg11[%swap3A_264], %swap3A_267 {strides = array<i32>} : memref<512xi32, #tpu.memory_space<vmem>>, vector<16xi32>,
      %mul3A_268 = arith.mulf %max3A_209, %max3A_227 : vector<16xf32>
      %swap3A_269 = arith.index_cast %mul3A_248 : i32 to index
      %swap3A_270 = tpu.vector_load %arg12[%swap3A_269] {strides = array<i32>} : memref<512xf32, #tpu.memory_space<vmem>>, vector<16xf32>,
      %swap3A_271 = vector.shape_cast %swap3A_270 : vector<16xf32> to vector<16xf32>
      %swap3A_272 = vector.shape_cast %mul3A_268 : vector<16xf32> to vector<16xf32>
      tpu.vector_store %arg12[%swap3A_269], %swap3A_272 {strides = array<i32>} : memref<512xf32, #tpu.memory_space<vmem>>, vector<16xf32>,
      %mul3A_273 = arith.mulf %max3A_218, %max3A_227 : vector<16xf32>
      %swap3A_274 = arith.index_cast %mul3A_248 : i32 to index
      %swap3A_275 = tpu.vector_load %arg13[%swap3A_274] {strides = array<i32>} : memref<512xf32, #tpu.memory_space<vmem>>, vector<16xf32>,
      %swap3A_276 = vector.shape_cast %swap3A_275 : vector<16xf32> to vector<16xf32>
      %swap3A_277 = vector.shape_cast %mul3A_273 : vector<16xf32> to vector<16xf32>
      tpu.vector_store %arg13[%swap3A_274], %swap3A_277 {strides = array<i32>} : memref<512xf32, #tpu.memory_space<vmem>>, vector<16xf32>,
      %mul3A_278 = arith.mulf %max3A_209, %max3A_236 : vector<16xf32>
      %swap3A_279 = arith.index_cast %mul3A_248 : i32 to index
      %swap3A_280 = tpu.vector_load %arg14[%swap3A_279] {strides = array<i32>} : memref<512xf32, #tpu.memory_space<vmem>>, vector<16xf32>,
      %swap3A_281 = vector.shape_cast %swap3A_280 : vector<16xf32> to vector<16xf32>
      %swap3A_282 = vector.shape_cast %mul3A_278 : vector<16xf32> to vector<16xf32>
      tpu.vector_store %arg14[%swap3A_279], %swap3A_282 {strides = array<i32>} : memref<512xf32, #tpu.memory_space<vmem>>, vector<16xf32>,
      %mul3A_283 = arith.mulf %max3A_218, %max3A_236 : vector<16xf32>
      %swap3A_284 = arith.index_cast %mul3A_248 : i32 to index
      %swap3A_285 = tpu.vector_load %arg15[%swap3A_284] {strides = array<i32>} : memref<512xf32, #tpu.memory_space<vmem>>, vector<16xf32>,
      %swap3A_286 = vector.shape_cast %swap3A_285 : vector<16xf32> to vector<16xf32>
      %swap3A_287 = vector.shape_cast %mul3A_283 : vector<16xf32> to vector<16xf32>
      tpu.vector_store %arg15[%swap3A_284], %swap3A_287 {strides = array<i32>} : memref<512xf32, #tpu.memory_space<vmem>>, vector<16xf32>,
    }
    %scan3A_92 = arith.constant 32 : i32
    %dma_start3A = arith.constant 0 : i32
    %dma_start3A_93 = tpu.memref_slice %arg4[%dma_start3A] : memref<4194304xf32, #tpu.memory_space<hbm>> -> memref<4194304xf32, #tpu.memory_space<hbm>>
    tpu.enqueue_indirect_dma source(%dma_start3A_93 : memref<4194304xf32, #tpu.memory_space<hbm>>) target(%arg16 : memref<512xf32, #tpu.memory_space<vmem>>) offsets(%arg8 : memref<512xi32, #tpu.memory_space<vmem>>) semaphore(%arg34 : memref<!tpu.dma_semaphore, #tpu.memory_space<semaphore_mem>>)
    %dma_start3A_94 = arith.constant 0 : i32
    %dma_start3A_95 = tpu.memref_slice %arg4[%dma_start3A_94] : memref<4194304xf32, #tpu.memory_space<hbm>> -> memref<4194304xf32, #tpu.memory_space<hbm>>
    tpu.enqueue_indirect_dma source(%dma_start3A_95 : memref<4194304xf32, #tpu.memory_space<hbm>>) target(%arg17 : memref<512xf32, #tpu.memory_space<vmem>>) offsets(%arg9 : memref<512xi32, #tpu.memory_space<vmem>>) semaphore(%arg34 : memref<!tpu.dma_semaphore, #tpu.memory_space<semaphore_mem>>)
    %dma_start3A_96 = arith.constant 0 : i32
    %dma_start3A_97 = tpu.memref_slice %arg4[%dma_start3A_96] : memref<4194304xf32, #tpu.memory_space<hbm>> -> memref<4194304xf32, #tpu.memory_space<hbm>>
    tpu.enqueue_indirect_dma source(%dma_start3A_97 : memref<4194304xf32, #tpu.memory_space<hbm>>) target(%arg18 : memref<512xf32, #tpu.memory_space<vmem>>) offsets(%arg10 : memref<512xi32, #tpu.memory_space<vmem>>) semaphore(%arg34 : memref<!tpu.dma_semaphore, #tpu.memory_space<semaphore_mem>>)
    %dma_start3A_98 = arith.constant 0 : i32
    %dma_start3A_99 = tpu.memref_slice %arg4[%dma_start3A_98] : memref<4194304xf32, #tpu.memory_space<hbm>> -> memref<4194304xf32, #tpu.memory_space<hbm>>
    tpu.enqueue_indirect_dma source(%dma_start3A_99 : memref<4194304xf32, #tpu.memory_space<hbm>>) target(%arg19 : memref<512xf32, #tpu.memory_space<vmem>>) offsets(%arg11 : memref<512xi32, #tpu.memory_space<vmem>>) semaphore(%arg34 : memref<!tpu.dma_semaphore, #tpu.memory_space<semaphore_mem>>)
    %scan3A_100 = arith.constant 0 : i32
    %scan3A_101 = arith.constant 128 : i32
    %scan3A_102 = arith.addi %scan3A_100, %scan3A_101 : i32
    %scan3A_103 = arith.constant 1 : i32
    scf.for %scan3A_112 = %scan3A_100 to %scan3A_102 step %scan3A_103  : i32 {
      %mul3A_113 = arith.constant 2 : i32
      %mul3A_114 = arith.muli %mul3A_113, %scan3A_112 : i32
      %add3A_115 = arith.addi %mul3A_32, %mul3A_114 : i32
      %add3A_116 = arith.constant 1 : i32
      %add3A_117 = arith.addi %add3A_115, %add3A_116 : i32
      %not3A_118 = arith.constant 15 : i32
      %not3A_119 = arith.constant -1 : i32
      %not3A_120 = arith.xori %not3A_118, %not3A_119 : i32
      %and3A_121 = arith.andi %add3A_117, %not3A_120 : i32
      %get3A_122 = arith.index_cast %and3A_121 : i32 to index
      %get3A_123 = tpu.vector_load %arg7[%get3A_122] {strides = array<i32>} : memref<512xf32, #tpu.memory_space<vmem>>, vector<16xf32>,
      %get3A_124 = vector.shape_cast %get3A_123 : vector<16xf32> to vector<16xf32>
      %and3A_125 = arith.constant 15 : i32
      %and3A_126 = arith.andi %add3A_117, %and3A_125 : i32
      %reshape3A_127 = vector.broadcast %and3A_126 : i32 to vector<1x1xi32>
      %broadcast_in_dim3A_128 = vector.shape_cast %reshape3A_127 : vector<1x1xi32> to vector<1x1xi32>
      %broadcast_in_dim3A_129 = vector.broadcast %broadcast_in_dim3A_128 : vector<1x1xi32> to vector<16x1xi32>
      %gather3A_130 = vector.shape_cast %broadcast_in_dim3A_129 : vector<16x1xi32> to vector<16xi32>
      %gather3A_131 = tpu.dynamic_gather %get3A_124[%gather3A_130] in [0] : vector<16xf32>, vector<16xi32> -> vector<16xf32>
      %mul3A_132 = arith.mulf %gather3A_47, %gather3A_131 : vector<16xf32>
      %add3A_133 = arith.addf %mul3A_132, %gather3A_53 : vector<16xf32>
      %mul3A_134 = arith.mulf %gather3A_65, %gather3A_131 : vector<16xf32>
      %add3A_135 = arith.addf %mul3A_134, %gather3A_71 : vector<16xf32>
      %scan3A_136 = arith.constant 0 : i32
      %scan3A_137 = arith.constant 32 : i32
      %scan3A_138 = arith.addi %scan3A_136, %scan3A_137 : i32
      %scan3A_139 = arith.constant 1 : i32
      scf.for %scan3A_199 = %scan3A_136 to %scan3A_138 step %scan3A_139  : i32 {
        %mul3A_200 = arith.constant 16 : i32
        %mul3A_201 = arith.muli %scan3A_199, %mul3A_200 : i32
        %get3A_202 = arith.index_cast %mul3A_201 : i32 to index
        %get3A_203 = tpu.vector_load %arg7[%get3A_202] {strides = array<i32>} : memref<512xf32, #tpu.memory_space<vmem>>, vector<16xf32>,
        %get3A_204 = vector.shape_cast %get3A_203 : vector<16xf32> to vector<16xf32>
        %mul3A_205 = arith.mulf %gather3A_41, %get3A_204 : vector<16xf32>
        %add3A_206 = arith.addf %mul3A_205, %add3A_133 : vector<16xf32>
        %mul3A_207 = arith.mulf %gather3A_59, %get3A_204 : vector<16xf32>
        %add3A_208 = arith.addf %mul3A_207, %add3A_135 : vector<16xf32>
        %bitcast_convert_type3A = tpu.bitcast %add3A_206 : vector<16xf32> -> vector<16xi32>
        %add3A_209 = arith.constant 32767 : i32
        %add3A_210 = vector.broadcast %add3A_209 : i32 to vector<16xi32>
        %add3A_211 = arith.addi %bitcast_convert_type3A, %add3A_210 : vector<16xi32>
        %shift_right_arithmetic3A = arith.constant 16 : i32
        %shift_right_arithmetic3A_212 = vector.broadcast %shift_right_arithmetic3A : i32 to vector<16xi32>
        %shift_right_arithmetic3A_213 = arith.shrsi %bitcast_convert_type3A, %shift_right_arithmetic3A_212 : vector<16xi32>
        %and3A_214 = arith.constant 1 : i32
        %and3A_215 = vector.broadcast %and3A_214 : i32 to vector<16xi32>
        %and3A_216 = arith.andi %shift_right_arithmetic3A_213, %and3A_215 : vector<16xi32>
        %add3A_217 = arith.addi %add3A_211, %and3A_216 : vector<16xi32>
        %and3A_218 = arith.constant -65536 : i32
        %and3A_219 = vector.broadcast %and3A_218 : i32 to vector<16xi32>
        %and3A_220 = arith.andi %add3A_217, %and3A_219 : vector<16xi32>
        %bitcast_convert_type3A_221 = tpu.bitcast %and3A_220 : vector<16xi32> -> vector<16xf32>
        %mul3A_222 = arith.constant 2.560000e+02 : f32
        %mul3A_223 = vector.broadcast %mul3A_222 : f32 to vector<16xf32>
        %mul3A_224 = arith.mulf %bitcast_convert_type3A_221, %mul3A_223 : vector<16xf32>
        %add3A_225 = arith.constant 2.560000e+02 : f32
        %add3A_226 = vector.broadcast %add3A_225 : f32 to vector<16xf32>
        %add3A_227 = arith.addf %mul3A_224, %add3A_226 : vector<16xf32>
        %bitcast_convert_type3A_228 = tpu.bitcast %add3A_208 : vector<16xf32> -> vector<16xi32>
        %add3A_229 = arith.constant 32767 : i32
        %add3A_230 = vector.broadcast %add3A_229 : i32 to vector<16xi32>
        %add3A_231 = arith.addi %bitcast_convert_type3A_228, %add3A_230 : vector<16xi32>
        %shift_right_arithmetic3A_232 = arith.constant 16 : i32
        %shift_right_arithmetic3A_233 = vector.broadcast %shift_right_arithmetic3A_232 : i32 to vector<16xi32>
        %shift_right_arithmetic3A_234 = arith.shrsi %bitcast_convert_type3A_228, %shift_right_arithmetic3A_233 : vector<16xi32>
        %and3A_235 = arith.constant 1 : i32
        %and3A_236 = vector.broadcast %and3A_235 : i32 to vector<16xi32>
        %and3A_237 = arith.andi %shift_right_arithmetic3A_234, %and3A_236 : vector<16xi32>
        %add3A_238 = arith.addi %add3A_231, %and3A_237 : vector<16xi32>
        %and3A_239 = arith.constant -65536 : i32
        %and3A_240 = vector.broadcast %and3A_239 : i32 to vector<16xi32>
        %and3A_241 = arith.andi %add3A_238, %and3A_240 : vector<16xi32>
        %bitcast_convert_type3A_242 = tpu.bitcast %and3A_241 : vector<16xi32> -> vector<16xf32>
        %mul3A_243 = arith.constant 2.560000e+02 : f32
        %mul3A_244 = vector.broadcast %mul3A_243 : f32 to vector<16xf32>
        %mul3A_245 = arith.mulf %bitcast_convert_type3A_242, %mul3A_244 : vector<16xf32>
        %add3A_246 = arith.constant 2.560000e+02 : f32
        %add3A_247 = vector.broadcast %add3A_246 : f32 to vector<16xf32>
        %add3A_248 = arith.addf %mul3A_245, %add3A_247 : vector<16xf32>
        %convert_element_type3A_249 = arith.fptosi %add3A_227 : vector<16xf32> to vector<16xi32>
        %convert_element_type3A_250 = arith.sitofp %convert_element_type3A_249 : vector<16xi32> to vector<16xf32>
        %gt3A_251 = arith.cmpf ogt, %convert_element_type3A_250, %add3A_227 : vector<16xf32>
        %sub3A_252 = arith.constant 1 : i32
        %sub3A_253 = vector.broadcast %sub3A_252 : i32 to vector<16xi32>
        %sub3A_254 = arith.subi %convert_element_type3A_249, %sub3A_253 : vector<16xi32>
        %select_n3A_255 = arith.select %gt3A_251, %sub3A_254, %convert_element_type3A_249 : vector<16xi1>, vector<16xi32>
        %convert_element_type3A_256 = arith.fptosi %add3A_248 : vector<16xf32> to vector<16xi32>
        %convert_element_type3A_257 = arith.sitofp %convert_element_type3A_256 : vector<16xi32> to vector<16xf32>
        %gt3A_258 = arith.cmpf ogt, %convert_element_type3A_257, %add3A_248 : vector<16xf32>
        %sub3A_259 = arith.constant 1 : i32
        %sub3A_260 = vector.broadcast %sub3A_259 : i32 to vector<16xi32>
        %sub3A_261 = arith.subi %convert_element_type3A_256, %sub3A_260 : vector<16xi32>
        %select_n3A_262 = arith.select %gt3A_258, %sub3A_261, %convert_element_type3A_256 : vector<16xi1>, vector<16xi32>
        %jit3A_263 = arith.constant 0 : i32
        %jit3A_264 = arith.constant 511 : i32
        %max3A = vector.broadcast %jit3A_263 : i32 to vector<16xi32>
        %max3A_265 = arith.maxsi %max3A, %select_n3A_255 : vector<16xi32>
        %min3A = vector.broadcast %jit3A_264 : i32 to vector<16xi32>
        %min3A_266 = arith.minsi %min3A, %max3A_265 : vector<16xi32>
        %add3A_267 = arith.constant 1 : i32
        %add3A_268 = vector.broadcast %add3A_267 : i32 to vector<16xi32>
        %add3A_269 = arith.addi %select_n3A_255, %add3A_268 : vector<16xi32>
        %jit3A_270 = arith.constant 0 : i32
        %jit3A_271 = arith.constant 511 : i32
        %max3A_272 = vector.broadcast %jit3A_270 : i32 to vector<16xi32>
        %max3A_273 = arith.maxsi %max3A_272, %add3A_269 : vector<16xi32>
        %min3A_274 = vector.broadcast %jit3A_271 : i32 to vector<16xi32>
        %min3A_275 = arith.minsi %min3A_274, %max3A_273 : vector<16xi32>
        %jit3A_276 = arith.constant 0 : i32
        %jit3A_277 = arith.constant 511 : i32
        %max3A_278 = vector.broadcast %jit3A_276 : i32 to vector<16xi32>
        %max3A_279 = arith.maxsi %max3A_278, %select_n3A_262 : vector<16xi32>
        %min3A_280 = vector.broadcast %jit3A_277 : i32 to vector<16xi32>
        %min3A_281 = arith.minsi %min3A_280, %max3A_279 : vector<16xi32>
        %add3A_282 = arith.constant 1 : i32
        %add3A_283 = vector.broadcast %add3A_282 : i32 to vector<16xi32>
        %add3A_284 = arith.addi %select_n3A_262, %add3A_283 : vector<16xi32>
        %jit3A_285 = arith.constant 0 : i32
        %jit3A_286 = arith.constant 511 : i32
        %max3A_287 = vector.broadcast %jit3A_285 : i32 to vector<16xi32>
        %max3A_288 = arith.maxsi %max3A_287, %add3A_284 : vector<16xi32>
        %min3A_289 = vector.broadcast %jit3A_286 : i32 to vector<16xi32>
        %min3A_290 = arith.minsi %min3A_289, %max3A_288 : vector<16xi32>
        %convert_element_type3A_291 = arith.sitofp %min3A_266 : vector<16xi32> to vector<16xf32>
        %sub3A_292 = arith.subf %add3A_227, %convert_element_type3A_291 : vector<16xf32>
        %abs3A = math.absf %sub3A_292 : vector<16xf32>
        %sub3A_293 = arith.constant 1.000000e+00 : f32
        %sub3A_294 = vector.broadcast %sub3A_293 : f32 to vector<16xf32>
        %sub3A_295 = arith.subf %sub3A_294, %abs3A : vector<16xf32>
        %max3A_296 = arith.constant 0.000000e+00 : f32
        %max3A_297 = vector.broadcast %max3A_296 : f32 to vector<16xf32>
        %max3A_298 = arith.maximumf %max3A_297, %sub3A_295 : vector<16xf32>
        %convert_element_type3A_299 = arith.sitofp %min3A_275 : vector<16xi32> to vector<16xf32>
        %sub3A_300 = arith.subf %add3A_227, %convert_element_type3A_299 : vector<16xf32>
        %abs3A_301 = math.absf %sub3A_300 : vector<16xf32>
        %sub3A_302 = arith.constant 1.000000e+00 : f32
        %sub3A_303 = vector.broadcast %sub3A_302 : f32 to vector<16xf32>
        %sub3A_304 = arith.subf %sub3A_303, %abs3A_301 : vector<16xf32>
        %max3A_305 = arith.constant 0.000000e+00 : f32
        %max3A_306 = vector.broadcast %max3A_305 : f32 to vector<16xf32>
        %max3A_307 = arith.maximumf %max3A_306, %sub3A_304 : vector<16xf32>
        %convert_element_type3A_308 = arith.sitofp %min3A_281 : vector<16xi32> to vector<16xf32>
        %sub3A_309 = arith.subf %add3A_248, %convert_element_type3A_308 : vector<16xf32>
        %abs3A_310 = math.absf %sub3A_309 : vector<16xf32>
        %sub3A_311 = arith.constant 1.000000e+00 : f32
        %sub3A_312 = vector.broadcast %sub3A_311 : f32 to vector<16xf32>
        %sub3A_313 = arith.subf %sub3A_312, %abs3A_310 : vector<16xf32>
        %max3A_314 = arith.constant 0.000000e+00 : f32
        %max3A_315 = vector.broadcast %max3A_314 : f32 to vector<16xf32>
        %max3A_316 = arith.maximumf %max3A_315, %sub3A_313 : vector<16xf32>
        %convert_element_type3A_317 = arith.sitofp %min3A_290 : vector<16xi32> to vector<16xf32>
        %sub3A_318 = arith.subf %add3A_248, %convert_element_type3A_317 : vector<16xf32>
        %abs3A_319 = math.absf %sub3A_318 : vector<16xf32>
        %sub3A_320 = arith.constant 1.000000e+00 : f32
        %sub3A_321 = vector.broadcast %sub3A_320 : f32 to vector<16xf32>
        %sub3A_322 = arith.subf %sub3A_321, %abs3A_319 : vector<16xf32>
        %max3A_323 = arith.constant 0.000000e+00 : f32
        %max3A_324 = vector.broadcast %max3A_323 : f32 to vector<16xf32>
        %max3A_325 = arith.maximumf %max3A_324, %sub3A_322 : vector<16xf32>
        %mul3A_326 = arith.constant 512 : i32
        %mul3A_327 = vector.broadcast %mul3A_326 : i32 to vector<16xi32>
        %mul3A_328 = arith.muli %min3A_281, %mul3A_327 : vector<16xi32>
        %add3A_329 = vector.broadcast %mul3A_34 : i32 to vector<16xi32>
        %add3A_330 = arith.addi %add3A_329, %mul3A_328 : vector<16xi32>
        %mul3A_331 = arith.constant 512 : i32
        %mul3A_332 = vector.broadcast %mul3A_331 : i32 to vector<16xi32>
        %mul3A_333 = arith.muli %min3A_290, %mul3A_332 : vector<16xi32>
        %add3A_334 = vector.broadcast %mul3A_34 : i32 to vector<16xi32>
        %add3A_335 = arith.addi %add3A_334, %mul3A_333 : vector<16xi32>
        %mul3A_336 = arith.constant 16 : i32
        %mul3A_337 = arith.muli %scan3A_199, %mul3A_336 : i32
        %add3A_338 = arith.addi %add3A_330, %min3A_266 : vector<16xi32>
        %swap3A = arith.index_cast %mul3A_337 : i32 to index
        %swap3A_339 = tpu.vector_load %arg21[%swap3A] {strides = array<i32>} : memref<512xi32, #tpu.memory_space<vmem>>, vector<16xi32>,
        %swap3A_340 = vector.shape_cast %swap3A_339 : vector<16xi32> to vector<16xi32>
        %swap3A_341 = vector.shape_cast %add3A_338 : vector<16xi32> to vector<16xi32>
        tpu.vector_store %arg21[%swap3A], %swap3A_341 {strides = array<i32>} : memref<512xi32, #tpu.memory_space<vmem>>, vector<16xi32>,
        %add3A_342 = arith.addi %add3A_330, %min3A_275 : vector<16xi32>
        %swap3A_343 = arith.index_cast %mul3A_337 : i32 to index
        %swap3A_344 = tpu.vector_load %arg22[%swap3A_343] {strides = array<i32>} : memref<512xi32, #tpu.memory_space<vmem>>, vector<16xi32>,
        %swap3A_345 = vector.shape_cast %swap3A_344 : vector<16xi32> to vector<16xi32>
        %swap3A_346 = vector.shape_cast %add3A_342 : vector<16xi32> to vector<16xi32>
        tpu.vector_store %arg22[%swap3A_343], %swap3A_346 {strides = array<i32>} : memref<512xi32, #tpu.memory_space<vmem>>, vector<16xi32>,
        %add3A_347 = arith.addi %add3A_335, %min3A_266 : vector<16xi32>
        %swap3A_348 = arith.index_cast %mul3A_337 : i32 to index
        %swap3A_349 = tpu.vector_load %arg23[%swap3A_348] {strides = array<i32>} : memref<512xi32, #tpu.memory_space<vmem>>, vector<16xi32>,
        %swap3A_350 = vector.shape_cast %swap3A_349 : vector<16xi32> to vector<16xi32>
        %swap3A_351 = vector.shape_cast %add3A_347 : vector<16xi32> to vector<16xi32>
        tpu.vector_store %arg23[%swap3A_348], %swap3A_351 {strides = array<i32>} : memref<512xi32, #tpu.memory_space<vmem>>, vector<16xi32>,
        %add3A_352 = arith.addi %add3A_335, %min3A_275 : vector<16xi32>
        %swap3A_353 = arith.index_cast %mul3A_337 : i32 to index
        %swap3A_354 = tpu.vector_load %arg24[%swap3A_353] {strides = array<i32>} : memref<512xi32, #tpu.memory_space<vmem>>, vector<16xi32>,
        %swap3A_355 = vector.shape_cast %swap3A_354 : vector<16xi32> to vector<16xi32>
        %swap3A_356 = vector.shape_cast %add3A_352 : vector<16xi32> to vector<16xi32>
        tpu.vector_store %arg24[%swap3A_353], %swap3A_356 {strides = array<i32>} : memref<512xi32, #tpu.memory_space<vmem>>, vector<16xi32>,
        %mul3A_357 = arith.mulf %max3A_298, %max3A_316 : vector<16xf32>
        %swap3A_358 = arith.index_cast %mul3A_337 : i32 to index
        %swap3A_359 = tpu.vector_load %arg25[%swap3A_358] {strides = array<i32>} : memref<512xf32, #tpu.memory_space<vmem>>, vector<16xf32>,
        %swap3A_360 = vector.shape_cast %swap3A_359 : vector<16xf32> to vector<16xf32>
        %swap3A_361 = vector.shape_cast %mul3A_357 : vector<16xf32> to vector<16xf32>
        tpu.vector_store %arg25[%swap3A_358], %swap3A_361 {strides = array<i32>} : memref<512xf32, #tpu.memory_space<vmem>>, vector<16xf32>,
        %mul3A_362 = arith.mulf %max3A_307, %max3A_316 : vector<16xf32>
        %swap3A_363 = arith.index_cast %mul3A_337 : i32 to index
        %swap3A_364 = tpu.vector_load %arg26[%swap3A_363] {strides = array<i32>} : memref<512xf32, #tpu.memory_space<vmem>>, vector<16xf32>,
        %swap3A_365 = vector.shape_cast %swap3A_364 : vector<16xf32> to vector<16xf32>
        %swap3A_366 = vector.shape_cast %mul3A_362 : vector<16xf32> to vector<16xf32>
        tpu.vector_store %arg26[%swap3A_363], %swap3A_366 {strides = array<i32>} : memref<512xf32, #tpu.memory_space<vmem>>, vector<16xf32>,
        %mul3A_367 = arith.mulf %max3A_298, %max3A_325 : vector<16xf32>
        %swap3A_368 = arith.index_cast %mul3A_337 : i32 to index
        %swap3A_369 = tpu.vector_load %arg27[%swap3A_368] {strides = array<i32>} : memref<512xf32, #tpu.memory_space<vmem>>, vector<16xf32>,
        %swap3A_370 = vector.shape_cast %swap3A_369 : vector<16xf32> to vector<16xf32>
        %swap3A_371 = vector.shape_cast %mul3A_367 : vector<16xf32> to vector<16xf32>
        tpu.vector_store %arg27[%swap3A_368], %swap3A_371 {strides = array<i32>} : memref<512xf32, #tpu.memory_space<vmem>>, vector<16xf32>,
        %mul3A_372 = arith.mulf %max3A_307, %max3A_325 : vector<16xf32>
        %swap3A_373 = arith.index_cast %mul3A_337 : i32 to index
        %swap3A_374 = tpu.vector_load %arg28[%swap3A_373] {strides = array<i32>} : memref<512xf32, #tpu.memory_space<vmem>>, vector<16xf32>,
        %swap3A_375 = vector.shape_cast %swap3A_374 : vector<16xf32> to vector<16xf32>
        %swap3A_376 = vector.shape_cast %mul3A_372 : vector<16xf32> to vector<16xf32>
        tpu.vector_store %arg28[%swap3A_373], %swap3A_376 {strides = array<i32>} : memref<512xf32, #tpu.memory_space<vmem>>, vector<16xf32>,
      }
      %scan3A_140 = arith.constant 32 : i32
      %dma_start3A_141 = arith.constant 0 : i32
      %dma_start3A_142 = tpu.memref_slice %arg4[%dma_start3A_141] : memref<4194304xf32, #tpu.memory_space<hbm>> -> memref<4194304xf32, #tpu.memory_space<hbm>>
      tpu.enqueue_indirect_dma source(%dma_start3A_142 : memref<4194304xf32, #tpu.memory_space<hbm>>) target(%arg29 : memref<512xf32, #tpu.memory_space<vmem>>) offsets(%arg21 : memref<512xi32, #tpu.memory_space<vmem>>) semaphore(%arg34 : memref<!tpu.dma_semaphore, #tpu.memory_space<semaphore_mem>>)
      %dma_start3A_143 = arith.constant 0 : i32
      %dma_start3A_144 = tpu.memref_slice %arg4[%dma_start3A_143] : memref<4194304xf32, #tpu.memory_space<hbm>> -> memref<4194304xf32, #tpu.memory_space<hbm>>
      tpu.enqueue_indirect_dma source(%dma_start3A_144 : memref<4194304xf32, #tpu.memory_space<hbm>>) target(%arg30 : memref<512xf32, #tpu.memory_space<vmem>>) offsets(%arg22 : memref<512xi32, #tpu.memory_space<vmem>>) semaphore(%arg34 : memref<!tpu.dma_semaphore, #tpu.memory_space<semaphore_mem>>)
      %dma_start3A_145 = arith.constant 0 : i32
      %dma_start3A_146 = tpu.memref_slice %arg4[%dma_start3A_145] : memref<4194304xf32, #tpu.memory_space<hbm>> -> memref<4194304xf32, #tpu.memory_space<hbm>>
      tpu.enqueue_indirect_dma source(%dma_start3A_146 : memref<4194304xf32, #tpu.memory_space<hbm>>) target(%arg31 : memref<512xf32, #tpu.memory_space<vmem>>) offsets(%arg23 : memref<512xi32, #tpu.memory_space<vmem>>) semaphore(%arg34 : memref<!tpu.dma_semaphore, #tpu.memory_space<semaphore_mem>>)
      %dma_start3A_147 = arith.constant 0 : i32
      %dma_start3A_148 = tpu.memref_slice %arg4[%dma_start3A_147] : memref<4194304xf32, #tpu.memory_space<hbm>> -> memref<4194304xf32, #tpu.memory_space<hbm>>
      tpu.enqueue_indirect_dma source(%dma_start3A_148 : memref<4194304xf32, #tpu.memory_space<hbm>>) target(%arg32 : memref<512xf32, #tpu.memory_space<vmem>>) offsets(%arg24 : memref<512xi32, #tpu.memory_space<vmem>>) semaphore(%arg34 : memref<!tpu.dma_semaphore, #tpu.memory_space<semaphore_mem>>)
      %dma_wait3A_149 = arith.constant 0 : i32
      %dma_wait3A_150 = tpu.memref_slice %arg4[%dma_wait3A_149] : memref<4194304xf32, #tpu.memory_space<hbm>> -> memref<4194304xf32, #tpu.memory_space<hbm>>
      tpu.wait_indirect_dma semaphore(%arg34 : memref<!tpu.dma_semaphore, #tpu.memory_space<semaphore_mem>>) src(%dma_wait3A_150 : memref<4194304xf32, #tpu.memory_space<hbm>>) dst(%arg16 : memref<512xf32, #tpu.memory_space<vmem>>)
      %dma_wait3A_151 = arith.constant 0 : i32
      %dma_wait3A_152 = tpu.memref_slice %arg4[%dma_wait3A_151] : memref<4194304xf32, #tpu.memory_space<hbm>> -> memref<4194304xf32, #tpu.memory_space<hbm>>
      tpu.wait_indirect_dma semaphore(%arg34 : memref<!tpu.dma_semaphore, #tpu.memory_space<semaphore_mem>>) src(%dma_wait3A_152 : memref<4194304xf32, #tpu.memory_space<hbm>>) dst(%arg17 : memref<512xf32, #tpu.memory_space<vmem>>)
      %dma_wait3A_153 = arith.constant 0 : i32
      %dma_wait3A_154 = tpu.memref_slice %arg4[%dma_wait3A_153] : memref<4194304xf32, #tpu.memory_space<hbm>> -> memref<4194304xf32, #tpu.memory_space<hbm>>
      tpu.wait_indirect_dma semaphore(%arg34 : memref<!tpu.dma_semaphore, #tpu.memory_space<semaphore_mem>>) src(%dma_wait3A_154 : memref<4194304xf32, #tpu.memory_space<hbm>>) dst(%arg18 : memref<512xf32, #tpu.memory_space<vmem>>)
      %dma_wait3A_155 = arith.constant 0 : i32
      %dma_wait3A_156 = tpu.memref_slice %arg4[%dma_wait3A_155] : memref<4194304xf32, #tpu.memory_space<hbm>> -> memref<4194304xf32, #tpu.memory_space<hbm>>
      tpu.wait_indirect_dma semaphore(%arg34 : memref<!tpu.dma_semaphore, #tpu.memory_space<semaphore_mem>>) src(%dma_wait3A_156 : memref<4194304xf32, #tpu.memory_space<hbm>>) dst(%arg19 : memref<512xf32, #tpu.memory_space<vmem>>)
      %gt3A = arith.constant 0 : i32
      %gt3A_157 = arith.cmpi sgt, %scan3A_112, %gt3A : i32
      %convert_element_type3A = arith.extui %gt3A_157 : i1 to i32
      %cond3A = arith.constant 0 : i32
      %cond3A_158 = arith.cmpi ne, %convert_element_type3A, %cond3A : i32
      scf.if %cond3A_158 {
        %dma_wait3A_199 = arith.constant 0 : i32
        %dma_wait3A_200 = tpu.memref_slice %arg5[%dma_wait3A_199] : memref<4194304xf32, #tpu.memory_space<hbm>> -> memref<512xf32, #tpu.memory_space<hbm>>
        %dma_wait3A_201 = arith.constant 0 : i32
        %dma_wait3A_202 = tpu.memref_slice %arg5[%dma_wait3A_201] : memref<4194304xf32, #tpu.memory_space<hbm>> -> memref<512xf32, #tpu.memory_space<hbm>>
        tpu.wait_dma2 semaphore(%arg35 : memref<!tpu.dma_semaphore, #tpu.memory_space<semaphore_mem>>) src(%arg20 : memref<512xf32, #tpu.memory_space<vmem>>) dst(%dma_wait3A_202 : memref<512xf32, #tpu.memory_space<hbm>>)
      } else {
      }
      %scan3A_159 = arith.constant 0 : i32
      %scan3A_160 = arith.constant 32 : i32
      %scan3A_161 = arith.addi %scan3A_159, %scan3A_160 : i32
      %scan3A_162 = arith.constant 1 : i32
      scf.for %scan3A_199 = %scan3A_159 to %scan3A_161 step %scan3A_162  : i32 {
        %mul3A_200 = arith.constant 16 : i32
        %mul3A_201 = arith.muli %scan3A_199, %mul3A_200 : i32
        %get3A_202 = arith.index_cast %mul3A_201 : i32 to index
        %get3A_203 = tpu.vector_load %arg16[%get3A_202] {strides = array<i32>} : memref<512xf32, #tpu.memory_space<vmem>>, vector<16xf32>,
        %get3A_204 = vector.shape_cast %get3A_203 : vector<16xf32> to vector<16xf32>
        %get3A_205 = arith.index_cast %mul3A_201 : i32 to index
        %get3A_206 = tpu.vector_load %arg12[%get3A_205] {strides = array<i32>} : memref<512xf32, #tpu.memory_space<vmem>>, vector<16xf32>,
        %get3A_207 = vector.shape_cast %get3A_206 : vector<16xf32> to vector<16xf32>
        %mul3A_208 = arith.mulf %get3A_204, %get3A_207 : vector<16xf32>
        %get3A_209 = arith.index_cast %mul3A_201 : i32 to index
        %get3A_210 = tpu.vector_load %arg17[%get3A_209] {strides = array<i32>} : memref<512xf32, #tpu.memory_space<vmem>>, vector<16xf32>,
        %get3A_211 = vector.shape_cast %get3A_210 : vector<16xf32> to vector<16xf32>
        %get3A_212 = arith.index_cast %mul3A_201 : i32 to index
        %get3A_213 = tpu.vector_load %arg13[%get3A_212] {strides = array<i32>} : memref<512xf32, #tpu.memory_space<vmem>>, vector<16xf32>,
        %get3A_214 = vector.shape_cast %get3A_213 : vector<16xf32> to vector<16xf32>
        %mul3A_215 = arith.mulf %get3A_211, %get3A_214 : vector<16xf32>
        %add3A_216 = arith.addf %mul3A_208, %mul3A_215 : vector<16xf32>
        %get3A_217 = arith.index_cast %mul3A_201 : i32 to index
        %get3A_218 = tpu.vector_load %arg18[%get3A_217] {strides = array<i32>} : memref<512xf32, #tpu.memory_space<vmem>>, vector<16xf32>,
        %get3A_219 = vector.shape_cast %get3A_218 : vector<16xf32> to vector<16xf32>
        %get3A_220 = arith.index_cast %mul3A_201 : i32 to index
        %get3A_221 = tpu.vector_load %arg14[%get3A_220] {strides = array<i32>} : memref<512xf32, #tpu.memory_space<vmem>>, vector<16xf32>,
        %get3A_222 = vector.shape_cast %get3A_221 : vector<16xf32> to vector<16xf32>
        %mul3A_223 = arith.mulf %get3A_219, %get3A_222 : vector<16xf32>
        %add3A_224 = arith.addf %add3A_216, %mul3A_223 : vector<16xf32>
        %get3A_225 = arith.index_cast %mul3A_201 : i32 to index
        %get3A_226 = tpu.vector_load %arg19[%get3A_225] {strides = array<i32>} : memref<512xf32, #tpu.memory_space<vmem>>, vector<16xf32>,
        %get3A_227 = vector.shape_cast %get3A_226 : vector<16xf32> to vector<16xf32>
        %get3A_228 = arith.index_cast %mul3A_201 : i32 to index
        %get3A_229 = tpu.vector_load %arg15[%get3A_228] {strides = array<i32>} : memref<512xf32, #tpu.memory_space<vmem>>, vector<16xf32>,
        %get3A_230 = vector.shape_cast %get3A_229 : vector<16xf32> to vector<16xf32>
        %mul3A_231 = arith.mulf %get3A_227, %get3A_230 : vector<16xf32>
        %add3A_232 = arith.addf %add3A_224, %mul3A_231 : vector<16xf32>
        %jit3A_233 = arith.constant 0.000000e+00 : f32
        %jit3A_234 = arith.constant 1.000000e+00 : f32
        %max3A = vector.broadcast %jit3A_233 : f32 to vector<16xf32>
        %max3A_235 = arith.maximumf %max3A, %add3A_232 : vector<16xf32>
        %min3A = vector.broadcast %jit3A_234 : f32 to vector<16xf32>
        %min3A_236 = arith.minimumf %min3A, %max3A_235 : vector<16xf32>
        %swap3A = arith.index_cast %mul3A_201 : i32 to index
        %swap3A_237 = tpu.vector_load %arg20[%swap3A] {strides = array<i32>} : memref<512xf32, #tpu.memory_space<vmem>>, vector<16xf32>,
        %swap3A_238 = vector.shape_cast %swap3A_237 : vector<16xf32> to vector<16xf32>
        %swap3A_239 = vector.shape_cast %min3A_236 : vector<16xf32> to vector<16xf32>
        tpu.vector_store %arg20[%swap3A], %swap3A_239 {strides = array<i32>} : memref<512xf32, #tpu.memory_space<vmem>>, vector<16xf32>,
      }
      %scan3A_163 = arith.constant 32 : i32
      %mul3A_164 = arith.constant 512 : i32
      %mul3A_165 = arith.muli %add3A_115, %mul3A_164 : i32
      %add3A_166 = arith.addi %mul3A_34, %mul3A_165 : i32
      %dma_start3A_167 = tpu.memref_slice %arg5[%add3A_166] : memref<4194304xf32, #tpu.memory_space<hbm>> -> memref<512xf32, #tpu.memory_space<hbm>>
      %dma_start3A_168 = tpu.memref_slice %arg5[%add3A_166] : memref<4194304xf32, #tpu.memory_space<hbm>> -> memref<512xf32, #tpu.memory_space<hbm>>
      tpu.enqueue_dma source(%arg20 : memref<512xf32, #tpu.memory_space<vmem>>) target(%dma_start3A_168 : memref<512xf32, #tpu.memory_space<hbm>>) target_semaphore(%arg35 : memref<!tpu.dma_semaphore, #tpu.memory_space<semaphore_mem>>)
      %lt3A_169 = arith.constant 127 : i32
      %lt3A_170 = arith.cmpi slt, %scan3A_112, %lt3A_169 : i32
      %convert_element_type3A_171 = arith.extui %lt3A_170 : i1 to i32
      %cond3A_172 = arith.constant 0 : i32
      %cond3A_173 = arith.cmpi ne, %convert_element_type3A_171, %cond3A_172 : i32
      scf.if %cond3A_173 {
        %add3A_199 = arith.constant 2 : i32
        %add3A_200 = arith.addi %add3A_115, %add3A_199 : i32
        %not3A_201 = arith.constant 15 : i32
        %not3A_202 = arith.constant -1 : i32
        %not3A_203 = arith.xori %not3A_201, %not3A_202 : i32
        %and3A_204 = arith.andi %add3A_200, %not3A_203 : i32
        %get3A_205 = arith.index_cast %and3A_204 : i32 to index
        %get3A_206 = tpu.vector_load %arg7[%get3A_205] {strides = array<i32>} : memref<512xf32, #tpu.memory_space<vmem>>, vector<16xf32>,
        %get3A_207 = vector.shape_cast %get3A_206 : vector<16xf32> to vector<16xf32>
        %and3A_208 = arith.constant 15 : i32
        %and3A_209 = arith.andi %add3A_200, %and3A_208 : i32
        %reshape3A_210 = vector.broadcast %and3A_209 : i32 to vector<1x1xi32>
        %broadcast_in_dim3A_211 = vector.shape_cast %reshape3A_210 : vector<1x1xi32> to vector<1x1xi32>
        %broadcast_in_dim3A_212 = vector.broadcast %broadcast_in_dim3A_211 : vector<1x1xi32> to vector<16x1xi32>
        %gather3A_213 = vector.shape_cast %broadcast_in_dim3A_212 : vector<16x1xi32> to vector<16xi32>
        %gather3A_214 = tpu.dynamic_gather %get3A_207[%gather3A_213] in [0] : vector<16xf32>, vector<16xi32> -> vector<16xf32>
        %mul3A_215 = arith.mulf %gather3A_47, %gather3A_214 : vector<16xf32>
        %add3A_216 = arith.addf %mul3A_215, %gather3A_53 : vector<16xf32>
        %mul3A_217 = arith.mulf %gather3A_65, %gather3A_214 : vector<16xf32>
        %add3A_218 = arith.addf %mul3A_217, %gather3A_71 : vector<16xf32>
        %scan3A_219 = arith.constant 0 : i32
        %scan3A_220 = arith.constant 32 : i32
        %scan3A_221 = arith.addi %scan3A_219, %scan3A_220 : i32
        %scan3A_222 = arith.constant 1 : i32
        scf.for %scan3A_232 = %scan3A_219 to %scan3A_221 step %scan3A_222  : i32 {
          %mul3A_233 = arith.constant 16 : i32
          %mul3A_234 = arith.muli %scan3A_232, %mul3A_233 : i32
          %get3A_235 = arith.index_cast %mul3A_234 : i32 to index
          %get3A_236 = tpu.vector_load %arg7[%get3A_235] {strides = array<i32>} : memref<512xf32, #tpu.memory_space<vmem>>, vector<16xf32>,
          %get3A_237 = vector.shape_cast %get3A_236 : vector<16xf32> to vector<16xf32>
          %mul3A_238 = arith.mulf %gather3A_41, %get3A_237 : vector<16xf32>
          %add3A_239 = arith.addf %mul3A_238, %add3A_216 : vector<16xf32>
          %mul3A_240 = arith.mulf %gather3A_59, %get3A_237 : vector<16xf32>
          %add3A_241 = arith.addf %mul3A_240, %add3A_218 : vector<16xf32>
          %bitcast_convert_type3A = tpu.bitcast %add3A_239 : vector<16xf32> -> vector<16xi32>
          %add3A_242 = arith.constant 32767 : i32
          %add3A_243 = vector.broadcast %add3A_242 : i32 to vector<16xi32>
          %add3A_244 = arith.addi %bitcast_convert_type3A, %add3A_243 : vector<16xi32>
          %shift_right_arithmetic3A = arith.constant 16 : i32
          %shift_right_arithmetic3A_245 = vector.broadcast %shift_right_arithmetic3A : i32 to vector<16xi32>
          %shift_right_arithmetic3A_246 = arith.shrsi %bitcast_convert_type3A, %shift_right_arithmetic3A_245 : vector<16xi32>
          %and3A_247 = arith.constant 1 : i32
          %and3A_248 = vector.broadcast %and3A_247 : i32 to vector<16xi32>
          %and3A_249 = arith.andi %shift_right_arithmetic3A_246, %and3A_248 : vector<16xi32>
          %add3A_250 = arith.addi %add3A_244, %and3A_249 : vector<16xi32>
          %and3A_251 = arith.constant -65536 : i32
          %and3A_252 = vector.broadcast %and3A_251 : i32 to vector<16xi32>
          %and3A_253 = arith.andi %add3A_250, %and3A_252 : vector<16xi32>
          %bitcast_convert_type3A_254 = tpu.bitcast %and3A_253 : vector<16xi32> -> vector<16xf32>
          %mul3A_255 = arith.constant 2.560000e+02 : f32
          %mul3A_256 = vector.broadcast %mul3A_255 : f32 to vector<16xf32>
          %mul3A_257 = arith.mulf %bitcast_convert_type3A_254, %mul3A_256 : vector<16xf32>
          %add3A_258 = arith.constant 2.560000e+02 : f32
          %add3A_259 = vector.broadcast %add3A_258 : f32 to vector<16xf32>
          %add3A_260 = arith.addf %mul3A_257, %add3A_259 : vector<16xf32>
          %bitcast_convert_type3A_261 = tpu.bitcast %add3A_241 : vector<16xf32> -> vector<16xi32>
          %add3A_262 = arith.constant 32767 : i32
          %add3A_263 = vector.broadcast %add3A_262 : i32 to vector<16xi32>
          %add3A_264 = arith.addi %bitcast_convert_type3A_261, %add3A_263 : vector<16xi32>
          %shift_right_arithmetic3A_265 = arith.constant 16 : i32
          %shift_right_arithmetic3A_266 = vector.broadcast %shift_right_arithmetic3A_265 : i32 to vector<16xi32>
          %shift_right_arithmetic3A_267 = arith.shrsi %bitcast_convert_type3A_261, %shift_right_arithmetic3A_266 : vector<16xi32>
          %and3A_268 = arith.constant 1 : i32
          %and3A_269 = vector.broadcast %and3A_268 : i32 to vector<16xi32>
          %and3A_270 = arith.andi %shift_right_arithmetic3A_267, %and3A_269 : vector<16xi32>
          %add3A_271 = arith.addi %add3A_264, %and3A_270 : vector<16xi32>
          %and3A_272 = arith.constant -65536 : i32
          %and3A_273 = vector.broadcast %and3A_272 : i32 to vector<16xi32>
          %and3A_274 = arith.andi %add3A_271, %and3A_273 : vector<16xi32>
          %bitcast_convert_type3A_275 = tpu.bitcast %and3A_274 : vector<16xi32> -> vector<16xf32>
          %mul3A_276 = arith.constant 2.560000e+02 : f32
          %mul3A_277 = vector.broadcast %mul3A_276 : f32 to vector<16xf32>
          %mul3A_278 = arith.mulf %bitcast_convert_type3A_275, %mul3A_277 : vector<16xf32>
          %add3A_279 = arith.constant 2.560000e+02 : f32
          %add3A_280 = vector.broadcast %add3A_279 : f32 to vector<16xf32>
          %add3A_281 = arith.addf %mul3A_278, %add3A_280 : vector<16xf32>
          %convert_element_type3A_282 = arith.fptosi %add3A_260 : vector<16xf32> to vector<16xi32>
          %convert_element_type3A_283 = arith.sitofp %convert_element_type3A_282 : vector<16xi32> to vector<16xf32>
          %gt3A_284 = arith.cmpf ogt, %convert_element_type3A_283, %add3A_260 : vector<16xf32>
          %sub3A_285 = arith.constant 1 : i32
          %sub3A_286 = vector.broadcast %sub3A_285 : i32 to vector<16xi32>
          %sub3A_287 = arith.subi %convert_element_type3A_282, %sub3A_286 : vector<16xi32>
          %select_n3A_288 = arith.select %gt3A_284, %sub3A_287, %convert_element_type3A_282 : vector<16xi1>, vector<16xi32>
          %convert_element_type3A_289 = arith.fptosi %add3A_281 : vector<16xf32> to vector<16xi32>
          %convert_element_type3A_290 = arith.sitofp %convert_element_type3A_289 : vector<16xi32> to vector<16xf32>
          %gt3A_291 = arith.cmpf ogt, %convert_element_type3A_290, %add3A_281 : vector<16xf32>
          %sub3A_292 = arith.constant 1 : i32
          %sub3A_293 = vector.broadcast %sub3A_292 : i32 to vector<16xi32>
          %sub3A_294 = arith.subi %convert_element_type3A_289, %sub3A_293 : vector<16xi32>
          %select_n3A_295 = arith.select %gt3A_291, %sub3A_294, %convert_element_type3A_289 : vector<16xi1>, vector<16xi32>
          %jit3A_296 = arith.constant 0 : i32
          %jit3A_297 = arith.constant 511 : i32
          %max3A = vector.broadcast %jit3A_296 : i32 to vector<16xi32>
          %max3A_298 = arith.maxsi %max3A, %select_n3A_288 : vector<16xi32>
          %min3A = vector.broadcast %jit3A_297 : i32 to vector<16xi32>
          %min3A_299 = arith.minsi %min3A, %max3A_298 : vector<16xi32>
          %add3A_300 = arith.constant 1 : i32
          %add3A_301 = vector.broadcast %add3A_300 : i32 to vector<16xi32>
          %add3A_302 = arith.addi %select_n3A_288, %add3A_301 : vector<16xi32>
          %jit3A_303 = arith.constant 0 : i32
          %jit3A_304 = arith.constant 511 : i32
          %max3A_305 = vector.broadcast %jit3A_303 : i32 to vector<16xi32>
          %max3A_306 = arith.maxsi %max3A_305, %add3A_302 : vector<16xi32>
          %min3A_307 = vector.broadcast %jit3A_304 : i32 to vector<16xi32>
          %min3A_308 = arith.minsi %min3A_307, %max3A_306 : vector<16xi32>
          %jit3A_309 = arith.constant 0 : i32
          %jit3A_310 = arith.constant 511 : i32
          %max3A_311 = vector.broadcast %jit3A_309 : i32 to vector<16xi32>
          %max3A_312 = arith.maxsi %max3A_311, %select_n3A_295 : vector<16xi32>
          %min3A_313 = vector.broadcast %jit3A_310 : i32 to vector<16xi32>
          %min3A_314 = arith.minsi %min3A_313, %max3A_312 : vector<16xi32>
          %add3A_315 = arith.constant 1 : i32
          %add3A_316 = vector.broadcast %add3A_315 : i32 to vector<16xi32>
          %add3A_317 = arith.addi %select_n3A_295, %add3A_316 : vector<16xi32>
          %jit3A_318 = arith.constant 0 : i32
          %jit3A_319 = arith.constant 511 : i32
          %max3A_320 = vector.broadcast %jit3A_318 : i32 to vector<16xi32>
          %max3A_321 = arith.maxsi %max3A_320, %add3A_317 : vector<16xi32>
          %min3A_322 = vector.broadcast %jit3A_319 : i32 to vector<16xi32>
          %min3A_323 = arith.minsi %min3A_322, %max3A_321 : vector<16xi32>
          %convert_element_type3A_324 = arith.sitofp %min3A_299 : vector<16xi32> to vector<16xf32>
          %sub3A_325 = arith.subf %add3A_260, %convert_element_type3A_324 : vector<16xf32>
          %abs3A = math.absf %sub3A_325 : vector<16xf32>
          %sub3A_326 = arith.constant 1.000000e+00 : f32
          %sub3A_327 = vector.broadcast %sub3A_326 : f32 to vector<16xf32>
          %sub3A_328 = arith.subf %sub3A_327, %abs3A : vector<16xf32>
          %max3A_329 = arith.constant 0.000000e+00 : f32
          %max3A_330 = vector.broadcast %max3A_329 : f32 to vector<16xf32>
          %max3A_331 = arith.maximumf %max3A_330, %sub3A_328 : vector<16xf32>
          %convert_element_type3A_332 = arith.sitofp %min3A_308 : vector<16xi32> to vector<16xf32>
          %sub3A_333 = arith.subf %add3A_260, %convert_element_type3A_332 : vector<16xf32>
          %abs3A_334 = math.absf %sub3A_333 : vector<16xf32>
          %sub3A_335 = arith.constant 1.000000e+00 : f32
          %sub3A_336 = vector.broadcast %sub3A_335 : f32 to vector<16xf32>
          %sub3A_337 = arith.subf %sub3A_336, %abs3A_334 : vector<16xf32>
          %max3A_338 = arith.constant 0.000000e+00 : f32
          %max3A_339 = vector.broadcast %max3A_338 : f32 to vector<16xf32>
          %max3A_340 = arith.maximumf %max3A_339, %sub3A_337 : vector<16xf32>
          %convert_element_type3A_341 = arith.sitofp %min3A_314 : vector<16xi32> to vector<16xf32>
          %sub3A_342 = arith.subf %add3A_281, %convert_element_type3A_341 : vector<16xf32>
          %abs3A_343 = math.absf %sub3A_342 : vector<16xf32>
          %sub3A_344 = arith.constant 1.000000e+00 : f32
          %sub3A_345 = vector.broadcast %sub3A_344 : f32 to vector<16xf32>
          %sub3A_346 = arith.subf %sub3A_345, %abs3A_343 : vector<16xf32>
          %max3A_347 = arith.constant 0.000000e+00 : f32
          %max3A_348 = vector.broadcast %max3A_347 : f32 to vector<16xf32>
          %max3A_349 = arith.maximumf %max3A_348, %sub3A_346 : vector<16xf32>
          %convert_element_type3A_350 = arith.sitofp %min3A_323 : vector<16xi32> to vector<16xf32>
          %sub3A_351 = arith.subf %add3A_281, %convert_element_type3A_350 : vector<16xf32>
          %abs3A_352 = math.absf %sub3A_351 : vector<16xf32>
          %sub3A_353 = arith.constant 1.000000e+00 : f32
          %sub3A_354 = vector.broadcast %sub3A_353 : f32 to vector<16xf32>
          %sub3A_355 = arith.subf %sub3A_354, %abs3A_352 : vector<16xf32>
          %max3A_356 = arith.constant 0.000000e+00 : f32
          %max3A_357 = vector.broadcast %max3A_356 : f32 to vector<16xf32>
          %max3A_358 = arith.maximumf %max3A_357, %sub3A_355 : vector<16xf32>
          %mul3A_359 = arith.constant 512 : i32
          %mul3A_360 = vector.broadcast %mul3A_359 : i32 to vector<16xi32>
          %mul3A_361 = arith.muli %min3A_314, %mul3A_360 : vector<16xi32>
          %add3A_362 = vector.broadcast %mul3A_34 : i32 to vector<16xi32>
          %add3A_363 = arith.addi %add3A_362, %mul3A_361 : vector<16xi32>
          %mul3A_364 = arith.constant 512 : i32
          %mul3A_365 = vector.broadcast %mul3A_364 : i32 to vector<16xi32>
          %mul3A_366 = arith.muli %min3A_323, %mul3A_365 : vector<16xi32>
          %add3A_367 = vector.broadcast %mul3A_34 : i32 to vector<16xi32>
          %add3A_368 = arith.addi %add3A_367, %mul3A_366 : vector<16xi32>
          %mul3A_369 = arith.constant 16 : i32
          %mul3A_370 = arith.muli %scan3A_232, %mul3A_369 : i32
          %add3A_371 = arith.addi %add3A_363, %min3A_299 : vector<16xi32>
          %swap3A = arith.index_cast %mul3A_370 : i32 to index
          %swap3A_372 = tpu.vector_load %arg8[%swap3A] {strides = array<i32>} : memref<512xi32, #tpu.memory_space<vmem>>, vector<16xi32>,
          %swap3A_373 = vector.shape_cast %swap3A_372 : vector<16xi32> to vector<16xi32>
          %swap3A_374 = vector.shape_cast %add3A_371 : vector<16xi32> to vector<16xi32>
          tpu.vector_store %arg8[%swap3A], %swap3A_374 {strides = array<i32>} : memref<512xi32, #tpu.memory_space<vmem>>, vector<16xi32>,
          %add3A_375 = arith.addi %add3A_363, %min3A_308 : vector<16xi32>
          %swap3A_376 = arith.index_cast %mul3A_370 : i32 to index
          %swap3A_377 = tpu.vector_load %arg9[%swap3A_376] {strides = array<i32>} : memref<512xi32, #tpu.memory_space<vmem>>, vector<16xi32>,
          %swap3A_378 = vector.shape_cast %swap3A_377 : vector<16xi32> to vector<16xi32>
          %swap3A_379 = vector.shape_cast %add3A_375 : vector<16xi32> to vector<16xi32>
          tpu.vector_store %arg9[%swap3A_376], %swap3A_379 {strides = array<i32>} : memref<512xi32, #tpu.memory_space<vmem>>, vector<16xi32>,
          %add3A_380 = arith.addi %add3A_368, %min3A_299 : vector<16xi32>
          %swap3A_381 = arith.index_cast %mul3A_370 : i32 to index
          %swap3A_382 = tpu.vector_load %arg10[%swap3A_381] {strides = array<i32>} : memref<512xi32, #tpu.memory_space<vmem>>, vector<16xi32>,
          %swap3A_383 = vector.shape_cast %swap3A_382 : vector<16xi32> to vector<16xi32>
          %swap3A_384 = vector.shape_cast %add3A_380 : vector<16xi32> to vector<16xi32>
          tpu.vector_store %arg10[%swap3A_381], %swap3A_384 {strides = array<i32>} : memref<512xi32, #tpu.memory_space<vmem>>, vector<16xi32>,
          %add3A_385 = arith.addi %add3A_368, %min3A_308 : vector<16xi32>
          %swap3A_386 = arith.index_cast %mul3A_370 : i32 to index
          %swap3A_387 = tpu.vector_load %arg11[%swap3A_386] {strides = array<i32>} : memref<512xi32, #tpu.memory_space<vmem>>, vector<16xi32>,
          %swap3A_388 = vector.shape_cast %swap3A_387 : vector<16xi32> to vector<16xi32>
          %swap3A_389 = vector.shape_cast %add3A_385 : vector<16xi32> to vector<16xi32>
          tpu.vector_store %arg11[%swap3A_386], %swap3A_389 {strides = array<i32>} : memref<512xi32, #tpu.memory_space<vmem>>, vector<16xi32>,
          %mul3A_390 = arith.mulf %max3A_331, %max3A_349 : vector<16xf32>
          %swap3A_391 = arith.index_cast %mul3A_370 : i32 to index
          %swap3A_392 = tpu.vector_load %arg12[%swap3A_391] {strides = array<i32>} : memref<512xf32, #tpu.memory_space<vmem>>, vector<16xf32>,
          %swap3A_393 = vector.shape_cast %swap3A_392 : vector<16xf32> to vector<16xf32>
          %swap3A_394 = vector.shape_cast %mul3A_390 : vector<16xf32> to vector<16xf32>
          tpu.vector_store %arg12[%swap3A_391], %swap3A_394 {strides = array<i32>} : memref<512xf32, #tpu.memory_space<vmem>>, vector<16xf32>,
          %mul3A_395 = arith.mulf %max3A_340, %max3A_349 : vector<16xf32>
          %swap3A_396 = arith.index_cast %mul3A_370 : i32 to index
          %swap3A_397 = tpu.vector_load %arg13[%swap3A_396] {strides = array<i32>} : memref<512xf32, #tpu.memory_space<vmem>>, vector<16xf32>,
          %swap3A_398 = vector.shape_cast %swap3A_397 : vector<16xf32> to vector<16xf32>
          %swap3A_399 = vector.shape_cast %mul3A_395 : vector<16xf32> to vector<16xf32>
          tpu.vector_store %arg13[%swap3A_396], %swap3A_399 {strides = array<i32>} : memref<512xf32, #tpu.memory_space<vmem>>, vector<16xf32>,
          %mul3A_400 = arith.mulf %max3A_331, %max3A_358 : vector<16xf32>
          %swap3A_401 = arith.index_cast %mul3A_370 : i32 to index
          %swap3A_402 = tpu.vector_load %arg14[%swap3A_401] {strides = array<i32>} : memref<512xf32, #tpu.memory_space<vmem>>, vector<16xf32>,
          %swap3A_403 = vector.shape_cast %swap3A_402 : vector<16xf32> to vector<16xf32>
          %swap3A_404 = vector.shape_cast %mul3A_400 : vector<16xf32> to vector<16xf32>
          tpu.vector_store %arg14[%swap3A_401], %swap3A_404 {strides = array<i32>} : memref<512xf32, #tpu.memory_space<vmem>>, vector<16xf32>,
          %mul3A_405 = arith.mulf %max3A_340, %max3A_358 : vector<16xf32>
          %swap3A_406 = arith.index_cast %mul3A_370 : i32 to index
          %swap3A_407 = tpu.vector_load %arg15[%swap3A_406] {strides = array<i32>} : memref<512xf32, #tpu.memory_space<vmem>>, vector<16xf32>,
          %swap3A_408 = vector.shape_cast %swap3A_407 : vector<16xf32> to vector<16xf32>
          %swap3A_409 = vector.shape_cast %mul3A_405 : vector<16xf32> to vector<16xf32>
          tpu.vector_store %arg15[%swap3A_406], %swap3A_409 {strides = array<i32>} : memref<512xf32, #tpu.memory_space<vmem>>, vector<16xf32>,
        }
        %scan3A_223 = arith.constant 32 : i32
        %dma_start3A_224 = arith.constant 0 : i32
        %dma_start3A_225 = tpu.memref_slice %arg4[%dma_start3A_224] : memref<4194304xf32, #tpu.memory_space<hbm>> -> memref<4194304xf32, #tpu.memory_space<hbm>>
        tpu.enqueue_indirect_dma source(%dma_start3A_225 : memref<4194304xf32, #tpu.memory_space<hbm>>) target(%arg16 : memref<512xf32, #tpu.memory_space<vmem>>) offsets(%arg8 : memref<512xi32, #tpu.memory_space<vmem>>) semaphore(%arg34 : memref<!tpu.dma_semaphore, #tpu.memory_space<semaphore_mem>>)
        %dma_start3A_226 = arith.constant 0 : i32
        %dma_start3A_227 = tpu.memref_slice %arg4[%dma_start3A_226] : memref<4194304xf32, #tpu.memory_space<hbm>> -> memref<4194304xf32, #tpu.memory_space<hbm>>
        tpu.enqueue_indirect_dma source(%dma_start3A_227 : memref<4194304xf32, #tpu.memory_space<hbm>>) target(%arg17 : memref<512xf32, #tpu.memory_space<vmem>>) offsets(%arg9 : memref<512xi32, #tpu.memory_space<vmem>>) semaphore(%arg34 : memref<!tpu.dma_semaphore, #tpu.memory_space<semaphore_mem>>)
        %dma_start3A_228 = arith.constant 0 : i32
        %dma_start3A_229 = tpu.memref_slice %arg4[%dma_start3A_228] : memref<4194304xf32, #tpu.memory_space<hbm>> -> memref<4194304xf32, #tpu.memory_space<hbm>>
        tpu.enqueue_indirect_dma source(%dma_start3A_229 : memref<4194304xf32, #tpu.memory_space<hbm>>) target(%arg18 : memref<512xf32, #tpu.memory_space<vmem>>) offsets(%arg10 : memref<512xi32, #tpu.memory_space<vmem>>) semaphore(%arg34 : memref<!tpu.dma_semaphore, #tpu.memory_space<semaphore_mem>>)
        %dma_start3A_230 = arith.constant 0 : i32
        %dma_start3A_231 = tpu.memref_slice %arg4[%dma_start3A_230] : memref<4194304xf32, #tpu.memory_space<hbm>> -> memref<4194304xf32, #tpu.memory_space<hbm>>
        tpu.enqueue_indirect_dma source(%dma_start3A_231 : memref<4194304xf32, #tpu.memory_space<hbm>>) target(%arg19 : memref<512xf32, #tpu.memory_space<vmem>>) offsets(%arg11 : memref<512xi32, #tpu.memory_space<vmem>>) semaphore(%arg34 : memref<!tpu.dma_semaphore, #tpu.memory_space<semaphore_mem>>)
      } else {
      }
      %dma_wait3A_174 = arith.constant 0 : i32
      %dma_wait3A_175 = tpu.memref_slice %arg4[%dma_wait3A_174] : memref<4194304xf32, #tpu.memory_space<hbm>> -> memref<4194304xf32, #tpu.memory_space<hbm>>
      tpu.wait_indirect_dma semaphore(%arg34 : memref<!tpu.dma_semaphore, #tpu.memory_space<semaphore_mem>>) src(%dma_wait3A_175 : memref<4194304xf32, #tpu.memory_space<hbm>>) dst(%arg29 : memref<512xf32, #tpu.memory_space<vmem>>)
      %dma_wait3A_176 = arith.constant 0 : i32
      %dma_wait3A_177 = tpu.memref_slice %arg4[%dma_wait3A_176] : memref<4194304xf32, #tpu.memory_space<hbm>> -> memref<4194304xf32, #tpu.memory_space<hbm>>
      tpu.wait_indirect_dma semaphore(%arg34 : memref<!tpu.dma_semaphore, #tpu.memory_space<semaphore_mem>>) src(%dma_wait3A_177 : memref<4194304xf32, #tpu.memory_space<hbm>>) dst(%arg30 : memref<512xf32, #tpu.memory_space<vmem>>)
      %dma_wait3A_178 = arith.constant 0 : i32
      %dma_wait3A_179 = tpu.memref_slice %arg4[%dma_wait3A_178] : memref<4194304xf32, #tpu.memory_space<hbm>> -> memref<4194304xf32, #tpu.memory_space<hbm>>
      tpu.wait_indirect_dma semaphore(%arg34 : memref<!tpu.dma_semaphore, #tpu.memory_space<semaphore_mem>>) src(%dma_wait3A_179 : memref<4194304xf32, #tpu.memory_space<hbm>>) dst(%arg31 : memref<512xf32, #tpu.memory_space<vmem>>)
      %dma_wait3A_180 = arith.constant 0 : i32
      %dma_wait3A_181 = tpu.memref_slice %arg4[%dma_wait3A_180] : memref<4194304xf32, #tpu.memory_space<hbm>> -> memref<4194304xf32, #tpu.memory_space<hbm>>
      tpu.wait_indirect_dma semaphore(%arg34 : memref<!tpu.dma_semaphore, #tpu.memory_space<semaphore_mem>>) src(%dma_wait3A_181 : memref<4194304xf32, #tpu.memory_space<hbm>>) dst(%arg32 : memref<512xf32, #tpu.memory_space<vmem>>)
      %gt3A_182 = arith.constant 0 : i32
      %gt3A_183 = arith.cmpi sgt, %scan3A_112, %gt3A_182 : i32
      %convert_element_type3A_184 = arith.extui %gt3A_183 : i1 to i32
      %cond3A_185 = arith.constant 0 : i32
      %cond3A_186 = arith.cmpi ne, %convert_element_type3A_184, %cond3A_185 : i32
      scf.if %cond3A_186 {
        %dma_wait3A_199 = arith.constant 0 : i32
        %dma_wait3A_200 = tpu.memref_slice %arg5[%dma_wait3A_199] : memref<4194304xf32, #tpu.memory_space<hbm>> -> memref<512xf32, #tpu.memory_space<hbm>>
        %dma_wait3A_201 = arith.constant 0 : i32
        %dma_wait3A_202 = tpu.memref_slice %arg5[%dma_wait3A_201] : memref<4194304xf32, #tpu.memory_space<hbm>> -> memref<512xf32, #tpu.memory_space<hbm>>
        tpu.wait_dma2 semaphore(%arg35 : memref<!tpu.dma_semaphore, #tpu.memory_space<semaphore_mem>>) src(%arg33 : memref<512xf32, #tpu.memory_space<vmem>>) dst(%dma_wait3A_202 : memref<512xf32, #tpu.memory_space<hbm>>)
      } else {
      }
      %add3A_187 = arith.constant 1 : i32
      %add3A_188 = arith.addi %add3A_115, %add3A_187 : i32
      %scan3A_189 = arith.constant 0 : i32
      %scan3A_190 = arith.constant 32 : i32
      %scan3A_191 = arith.addi %scan3A_189, %scan3A_190 : i32
      %scan3A_192 = arith.constant 1 : i32
      scf.for %scan3A_199 = %scan3A_189 to %scan3A_191 step %scan3A_192  : i32 {
        %mul3A_200 = arith.constant 16 : i32
        %mul3A_201 = arith.muli %scan3A_199, %mul3A_200 : i32
        %get3A_202 = arith.index_cast %mul3A_201 : i32 to index
        %get3A_203 = tpu.vector_load %arg29[%get3A_202] {strides = array<i32>} : memref<512xf32, #tpu.memory_space<vmem>>, vector<16xf32>,
        %get3A_204 = vector.shape_cast %get3A_203 : vector<16xf32> to vector<16xf32>
        %get3A_205 = arith.index_cast %mul3A_201 : i32 to index
        %get3A_206 = tpu.vector_load %arg25[%get3A_205] {strides = array<i32>} : memref<512xf32, #tpu.memory_space<vmem>>, vector<16xf32>,
        %get3A_207 = vector.shape_cast %get3A_206 : vector<16xf32> to vector<16xf32>
        %mul3A_208 = arith.mulf %get3A_204, %get3A_207 : vector<16xf32>
        %get3A_209 = arith.index_cast %mul3A_201 : i32 to index
        %get3A_210 = tpu.vector_load %arg30[%get3A_209] {strides = array<i32>} : memref<512xf32, #tpu.memory_space<vmem>>, vector<16xf32>,
        %get3A_211 = vector.shape_cast %get3A_210 : vector<16xf32> to vector<16xf32>
        %get3A_212 = arith.index_cast %mul3A_201 : i32 to index
        %get3A_213 = tpu.vector_load %arg26[%get3A_212] {strides = array<i32>} : memref<512xf32, #tpu.memory_space<vmem>>, vector<16xf32>,
        %get3A_214 = vector.shape_cast %get3A_213 : vector<16xf32> to vector<16xf32>
        %mul3A_215 = arith.mulf %get3A_211, %get3A_214 : vector<16xf32>
        %add3A_216 = arith.addf %mul3A_208, %mul3A_215 : vector<16xf32>
        %get3A_217 = arith.index_cast %mul3A_201 : i32 to index
        %get3A_218 = tpu.vector_load %arg31[%get3A_217] {strides = array<i32>} : memref<512xf32, #tpu.memory_space<vmem>>, vector<16xf32>,
        %get3A_219 = vector.shape_cast %get3A_218 : vector<16xf32> to vector<16xf32>
        %get3A_220 = arith.index_cast %mul3A_201 : i32 to index
        %get3A_221 = tpu.vector_load %arg27[%get3A_220] {strides = array<i32>} : memref<512xf32, #tpu.memory_space<vmem>>, vector<16xf32>,
        %get3A_222 = vector.shape_cast %get3A_221 : vector<16xf32> to vector<16xf32>
        %mul3A_223 = arith.mulf %get3A_219, %get3A_222 : vector<16xf32>
        %add3A_224 = arith.addf %add3A_216, %mul3A_223 : vector<16xf32>
        %get3A_225 = arith.index_cast %mul3A_201 : i32 to index
        %get3A_226 = tpu.vector_load %arg32[%get3A_225] {strides = array<i32>} : memref<512xf32, #tpu.memory_space<vmem>>, vector<16xf32>,
        %get3A_227 = vector.shape_cast %get3A_226 : vector<16xf32> to vector<16xf32>
        %get3A_228 = arith.index_cast %mul3A_201 : i32 to index
        %get3A_229 = tpu.vector_load %arg28[%get3A_228] {strides = array<i32>} : memref<512xf32, #tpu.memory_space<vmem>>, vector<16xf32>,
        %get3A_230 = vector.shape_cast %get3A_229 : vector<16xf32> to vector<16xf32>
        %mul3A_231 = arith.mulf %get3A_227, %get3A_230 : vector<16xf32>
        %add3A_232 = arith.addf %add3A_224, %mul3A_231 : vector<16xf32>
        %jit3A_233 = arith.constant 0.000000e+00 : f32
        %jit3A_234 = arith.constant 1.000000e+00 : f32
        %max3A = vector.broadcast %jit3A_233 : f32 to vector<16xf32>
        %max3A_235 = arith.maximumf %max3A, %add3A_232 : vector<16xf32>
        %min3A = vector.broadcast %jit3A_234 : f32 to vector<16xf32>
        %min3A_236 = arith.minimumf %min3A, %max3A_235 : vector<16xf32>
        %swap3A = arith.index_cast %mul3A_201 : i32 to index
        %swap3A_237 = tpu.vector_load %arg33[%swap3A] {strides = array<i32>} : memref<512xf32, #tpu.memory_space<vmem>>, vector<16xf32>,
        %swap3A_238 = vector.shape_cast %swap3A_237 : vector<16xf32> to vector<16xf32>
        %swap3A_239 = vector.shape_cast %min3A_236 : vector<16xf32> to vector<16xf32>
        tpu.vector_store %arg33[%swap3A], %swap3A_239 {strides = array<i32>} : memref<512xf32, #tpu.memory_space<vmem>>, vector<16xf32>,
      }
      %scan3A_193 = arith.constant 32 : i32
      %mul3A_194 = arith.constant 512 : i32
      %mul3A_195 = arith.muli %add3A_188, %mul3A_194 : i32
      %add3A_196 = arith.addi %mul3A_34, %mul3A_195 : i32
      %dma_start3A_197 = tpu.memref_slice %arg5[%add3A_196] : memref<4194304xf32, #tpu.memory_space<hbm>> -> memref<512xf32, #tpu.memory_space<hbm>>
      %dma_start3A_198 = tpu.memref_slice %arg5[%add3A_196] : memref<4194304xf32, #tpu.memory_space<hbm>> -> memref<512xf32, #tpu.memory_space<hbm>>
      tpu.enqueue_dma source(%arg33 : memref<512xf32, #tpu.memory_space<vmem>>) target(%dma_start3A_198 : memref<512xf32, #tpu.memory_space<hbm>>) target_semaphore(%arg35 : memref<!tpu.dma_semaphore, #tpu.memory_space<semaphore_mem>>)
    }
    %scan3A_104 = arith.constant 128 : i32
    %dma_wait3A = arith.constant 0 : i32
    %dma_wait3A_105 = tpu.memref_slice %arg5[%dma_wait3A] : memref<4194304xf32, #tpu.memory_space<hbm>> -> memref<512xf32, #tpu.memory_space<hbm>>
    %dma_wait3A_106 = arith.constant 0 : i32
    %dma_wait3A_107 = tpu.memref_slice %arg5[%dma_wait3A_106] : memref<4194304xf32, #tpu.memory_space<hbm>> -> memref<512xf32, #tpu.memory_space<hbm>>
    tpu.wait_dma2 semaphore(%arg35 : memref<!tpu.dma_semaphore, #tpu.memory_space<semaphore_mem>>) src(%arg20 : memref<512xf32, #tpu.memory_space<vmem>>) dst(%dma_wait3A_107 : memref<512xf32, #tpu.memory_space<hbm>>)
    %dma_wait3A_108 = arith.constant 0 : i32
    %dma_wait3A_109 = tpu.memref_slice %arg5[%dma_wait3A_108] : memref<4194304xf32, #tpu.memory_space<hbm>> -> memref<512xf32, #tpu.memory_space<hbm>>
    %dma_wait3A_110 = arith.constant 0 : i32
    %dma_wait3A_111 = tpu.memref_slice %arg5[%dma_wait3A_110] : memref<4194304xf32, #tpu.memory_space<hbm>> -> memref<512xf32, #tpu.memory_space<hbm>>
    tpu.wait_dma2 semaphore(%arg35 : memref<!tpu.dma_semaphore, #tpu.memory_space<semaphore_mem>>) src(%arg33 : memref<512xf32, #tpu.memory_space<vmem>>) dst(%dma_wait3A_111 : memref<512xf32, #tpu.memory_space<hbm>>)
    return
  }
}

</mosaic_0001>

<sc_bundles>
// kernel: kernel.3.cloned.1.call-start
scs
__scs_entry_jumppad:
0x0: {  	(pc) =	sbr.rel $0x88, $3  }
0x1: {  	(tag) =	ssettag $0x0;
	lr =	simm.s32 $0x1  }
0x2: {  	[smem:$0x3F9F] =	sst lr;
	_ =	strace $0xD0000000  }
0x3: {  	_ = 	snop  }
0x4: {  	_ = 	snop  }
0x5: {  	_ = 	snop  }
0x6: {  	_ = 	snop  }
0x7: {  	_ = 	snop  }
__scs_overlays_trampoline_lowered:
0x8: {  	[smem:$0x3FAE] =	sst s0  }
0x9: {  	[smem:$0x3FAF] =	sst s1  }
0xa: {  	[smem:$0x3FB0] =	sst s2  }
0xb: {  	[smem:$0x3FB1] =	sst s3  }
0xc: {  	[smem:$0x3FB2] =	sst s4  }
0xd: {  	[smem:$0x3FB3] =	sst s5  }
0xe: {  	[smem:$0x3FB4] =	sst s6  }
0xf: {  	[smem:$0x3FB5] =	sst s7  }
0x10: {  	[smem:$0x3FB6] =	sst s8  }
0x11: {  	[smem:$0x3FB7] =	sst s9;
	s0 =	simm.s32 @!p0 $0x0  }
0x12: {  	s1 =	sld [smem:$0x3F9D];
	s0 =	simm.s32 @p0 $0x1  }
0x13: {  	[smem:$0x3FB8] =	sst s0;
	s0 =	simm.s32 @!p1 $0x0  }
0x14: {  	s2 =	sld [smem:$0x3F9C];
	s0 =	simm.s32 @p1 $0x1  }
0x15: {  	[smem:$0x3FB9] =	sst s0;
	s0 =	simm.s32 @!p2 $0x0  }
0x16: {  	s3 =	sld [smem:$0x3FDB];
	s0 =	simm.s32 @p2 $0x1  }
0x17: {  	s4 =	simm.s32 $0x1BF5;
	[smem:$0x3FBB] =	sst s0  }
0x18: {  	s0 =	sld [smem:$0x3F9E];
	_ =	swait.ge [sflag:s4], $0x0  }
0x19: {  	s7 =	sld [smem:$0x3F9F]  }
0x1a: {  	s8 =	sadd.s32 $0xFFFFE003, lr  }
0x1b: {  	s9 =	sadd.s32 $0xFFFFFEF7, lr;
	s5 =	simm.s32 $0xFFFFFFFF;
	p2 =	slt.u32 s8, $0xFFFFF086  }
0x1c: {  	p1 =	slt.u32 s9, $0xF7A;
	s5 =	simm.s32 @!p2 $0x0  }
0x1d: {  	s5 =	simm.s32 @p1 $0x1;
	p0 =	seq.s32 s7, s2  }
0x1e: {  	s7 =	smul.u32 @!p0 $0xF7A, s2;
	p2 =	seq.s32 @!p0 s5, $0x0  }
0x1f: {  	s9 =	smul.u32 $0xF7A, s1;
	s8 =	simm.s32 @!p0 $0x1BF5;
	p2 =	por !p2, p0  }
0x20: {  	[sflag:s8] =	ssyncset.s32 @!p0 $0xFFFFF086;
	s6 =	sadd.s32 @!p0 s3, s7;
	s7 =	simm.s32 @!p0 $0x108  }
0x21: {  	s3 =	sadd.s32 s3, s9;
	s6 =	sadd.s32 @!p0 $0x88, s6;
	s7 =	simm.s32 @p2 $0x1082  }
0x22: {  	[simem:s7], [sflag:s8] =	dma.local @!p0 [hbm:s6], $0xF7A  }
0x23: {  	s9 =	sor.u32 $0xD0000000, s2;
	s6 =	simm.s32 $0x108;
	_ =	swait.ge @!p0 [sflag:s8], $0x0  }
0x24: {  	s3 =	sadd.s32 $0x88, s3;
	s6 =	simm.s32 @!p1 $0x1082;
	[sflag:s4] =	ssyncset.s32 $0xFFFFF086  }
0x25: {  	[simem:s6], [sflag:s4] =	dma.local [hbm:s3], $0xF7A  }
0x26: {  	[smem:$0x3F9F] =	sst s1;
	(tag) =	ssettag s2;
	_ =	strace s9  }
0x27: {  	s1 =	sld [smem:$0x3FAF]  }
0x28: {  	s2 =	sld [smem:$0x3FB0]  }
0x29: {  	s4 =	sld [smem:$0x3FB2]  }
0x2a: {  	p0 =	seq.s32 s5, $0x0;
	s5 =	sld [smem:$0x3FB3]  }
0x2b: {  	s6 =	sld [smem:$0x3FB4]  }
0x2c: {  	s7 =	sld [smem:$0x3FB5]  }
0x2d: {  	s3 =	simm.s32 $0x108;
	s8 =	sld [smem:$0x3FB6]  }
0x2e: {  	s3 =	simm.s32 @!p0 $0x1082;
	s9 =	sld [smem:$0x3FB7]  }
0x2f: {  	lr =	sadd.s32 s0, s3;
	s0 =	sld [smem:$0x3FAE]  }
0x30: {  	s3 =	sld [smem:$0x3FB1]  }
0x31: {  	[smem:$0x3FBA] =	sst s10  }
0x32: {  	s10 =	sld [smem:$0x3FB8];
	_ =	sdelay $0x3  }
0x33: {  	p0 =	seq.s32 s10, $0x1;
	s10 =	sld [smem:$0x3FBA];
	_ =	sdelay $0x3  }
0x34: {  	[smem:$0x3FBA] =	sst s10  }
0x35: {  	s10 =	sld [smem:$0x3FB9];
	_ =	sdelay $0x3  }
0x36: {  	p1 =	seq.s32 s10, $0x1;
	s10 =	sld [smem:$0x3FBA];
	_ =	sdelay $0x3  }
0x37: {  	[smem:$0x3FBA] =	sst s10  }
0x38: {  	s10 =	sld [smem:$0x3FBB]  }
0x39: {  	_ = 	snop;
	(pc) =	sbr.ind lr, $3  }
0x3a: {  	_ = 	snop  }
0x3b: {  	_ = 	snop  }
0x3c: {  	p2 =	seq.s32 s10, $0x1;
	s10 =	sld [smem:$0x3FBA]  }
0x3d: {  	_ =	shalt  }
0x3e: {  	_ =	shalt  }
0x3f: {  	_ =	shalt  }
0x40: {  	_ =	shalt  }
0x41: {  	_ =	shalt  }
0x42: {  	_ =	shalt  }
0x43: {  	_ =	shalt  }
0x44: {  	_ =	shalt  }
0x45: {  	_ =	shalt  }
0x46: {  	_ =	shalt  }
0x47: {  	_ =	shalt  }
0x48: {  	_ =	shalt  }
0x49: {  	_ =	shalt  }
0x4a: {  	_ =	shalt  }
0x4b: {  	_ =	shalt  }
0x4c: {  	_ =	shalt  }
0x4d: {  	_ =	shalt  }
0x4e: {  	_ =	shalt  }
0x4f: {  	_ =	shalt  }
0x50: {  	_ =	shalt  }
0x51: {  	_ =	shalt  }
0x52: {  	_ =	shalt  }
0x53: {  	_ =	shalt  }
0x54: {  	_ =	shalt  }
0x55: {  	_ =	shalt  }
0x56: {  	_ =	shalt  }
0x57: {  	_ =	shalt  }
0x58: {  	_ =	shalt  }
0x59: {  	_ =	shalt  }
0x5a: {  	_ =	shalt  }
0x5b: {  	_ =	shalt  }
0x5c: {  	_ =	shalt  }
0x5d: {  	_ =	shalt  }
0x5e: {  	_ =	shalt  }
0x5f: {  	_ =	shalt  }
0x60: {  	_ =	shalt  }
0x61: {  	_ =	shalt  }
0x62: {  	_ =	shalt  }
0x63: {  	_ =	shalt  }
0x64: {  	_ =	shalt  }
0x65: {  	_ =	shalt  }
0x66: {  	_ =	shalt  }
0x67: {  	_ =	shalt  }
0x68: {  	_ =	shalt  }
0x69: {  	_ =	shalt  }
0x6a: {  	_ =	shalt  }
0x6b: {  	_ =	shalt  }
0x6c: {  	_ =	shalt  }
0x6d: {  	_ =	shalt  }
0x6e: {  	_ =	shalt  }
0x6f: {  	_ =	shalt  }
0x70: {  	_ =	shalt  }
0x71: {  	_ =	shalt  }
0x72: {  	_ =	shalt  }
0x73: {  	_ =	shalt  }
0x74: {  	_ =	shalt  }
0x75: {  	_ =	shalt  }
0x76: {  	_ =	shalt  }
0x77: {  	_ =	shalt  }
0x78: {  	_ =	shalt  }
0x79: {  	_ =	shalt  }
0x7a: {  	_ =	shalt  }
0x7b: {  	_ =	shalt  }
0x7c: {  	_ =	shalt  }
0x7d: {  	_ =	shalt  }
0x7e: {  	_ =	shalt  }
0x7f: {  	_ =	shalt  }
0x80: {  	_ =	shalt  }
0x81: {  	_ =	shalt  }
0x82: {  	_ =	shalt  }
0x83: {  	_ =	shalt  }
0x84: {  	_ =	shalt  }
0x85: {  	_ =	shalt  }
0x86: {  	_ =	shalt  }
0x87: {  	_ =	shalt  }
.Lfunc_end0:
.L_simem_size_0:
called_computation_lowered:
.L_overlay_start_0:
0x88: {  	s2 =	sld [smem:$0x3FD9]  }
0x89: {  	s3 =	sld [smem:$0x3FFE];
	_ =	sdelay $0x1  }
0x8a: {  	s1 =	srdreg.scid  }
0x8b: {  	s0 =	sand.u32 $0x1, s1  }
0x8c: {  	s17 =	sshll.u32 s0, $0xA;
	s2 =	sadd.s32 s3, s2  }
0x8d: {  	s2 =	sadd.s32 s2, s17  }
0x8e: {  	[smem:$0x3FC6] =	sst s2  }
0x8f: {  	_ = 	snop  }
0x90: {  	s2 =	sld [smem:$0x3FC8]  }
0x91: {  	s18 =	sld [smem:$0x3FD0];
	(tm) =	ssettm $0x1  }
0x92: {  	s4 =	sld [smem:$0x3FFB];
	_ =	sdelay $0x3  }
0x93: {  	_ =	strace s4  }
0x94: {  	s4 =	sld [smem:$0x3FFC];
	_ =	sdelay $0x3  }
0x95: {  	_ =	strace s4  }
0x96: {  	s4 =	sld [smem:$0x3FFD];
	_ =	sdelay $0x3  }
0x97: {  	_ =	strace s4  }
0x98: {  	_ =	strace $0x8FFFFFFF  }
0x99: {  	s19 =	sld [smem:$0x3FDB];
	_ =	sdelay $0x1  }
0x9a: {  	s5 =	simm.s32 $_scs_section_size  }
0x9b: {  	s6 =	simm.s32 $_size__tile_overlayer_lowered;
	s7 =	simm.s32 $_tile_overlayer_lowered  }
0x9c: {  	s22 =	simm.s32 $0x1BFF;
	s21 =	sshll.u32 s7, $0x1;
	s4 =	sadd.s32 s5, s19  }
0x9d: {  	s8 =	simm.s32 $0x0;
	s20 =	sshll.u32 s6, $0x1;
	s6 =	sadd.s32 s21, s4  }
0x9e: {  	[timem:s8], [sflag:s22] =	dma.local [hbm:s6], s20  }
0x9f: {  	_ =	swait.ge [sflag:s22], s20  }
0xa0: {  	s5 =	ssub.s32 $0x0, s20;
	[sflag:s22] =	ssyncset.done $0x0  }
0xa1: {  	[sflag:s22] =	ssyncadd.s32 s5;
	_ =	sdelay $0x1  }
0xa2: {  	s23 =	simm.s32 $0x1B8B  }
0xa3: {  	_ =	swait.ge [sflag:s23], $0x1  }
0xa4: {  	[sflag:s23] =	ssyncset.done $0x0  }
0xa5: {  	s25 =	simm.s32 $0x1B8E;
	s24 =	sld [smem:$0x3FFE];
	[sflag:s23] =	ssyncadd.s32 $0xFFFFFFFF  }
0xa6: {  	s26 =	simm.s32 $execute0_lowered;
	[smem:$0x3FD2] =	sst s25  }
0xa7: {  	s6 =	sshll.u32 s26, $0x1;
	_ =	strace $0x80000046;
	[dreg:$0x1] =	wrdreg $0xFFFFFFFF  }
0xa8: {  	s28 =	simm.s32 $_size_execute0_lowered;
	s4 =	sadd.s32 s4, s6;
	[dreg:$0x0] =	wrdreg $0x0  }
0xa9: {  	s6 =	sshll.u32 s28, $0x1;
	[dreg:$0x2] =	wrdreg s4  }
0xaa: {  	[dreg:$0x3] =	wrdreg s6  }
0xab: {  	[dreg:$0x4] =	wrdreg $0xC0  }
0xac: {  	_ =	task [dreg:s8], $0x5FFFF  }
0xad: {  	[dreg:$0x1] =	wrdreg $0xFFFFFFFF  }
0xae: {  	[dreg:$0x0] =	wrdreg $0x60  }
0xaf: {  	[dreg:$0x2] =	wrdreg s24  }
0xb0: {  	[dreg:$0x3] =	wrdreg s2  }
0xb1: {  	[dreg:$0x4] =	wrdreg s18  }
0xb2: {  	[dreg:$0x5] =	wrdreg $0x9  }
0xb3: {  	_ =	task.clear_ibuf [dreg:s8], $0x6FFFF;
	_ =	strace $0x90000046  }
0xb4: {  	s29 =	simm.s32 $0x9;
	_ =	strace $0x80000048  }
0xb5: {  	_ =	swait.ge [sflag:s29], $0x1  }
0xb6: {  	[sflag:s29] =	ssyncadd.s32 $0xFFFFFFFF  }
0xb7: {  	_ =	strace $0x90000048  }
0xb8: {  	_ =	sfence  }
0xb9: {  	s30 =	sld [smem:$0x0];
	_ =	sdelay $0x2  }
0xba: {  	s31 =	sshll.u32 s1, $0xD;
	s1 =	sshrl.u32 s1, $0x2  }
0xbb: {  	s3 =	sand.u32 $0x4000, s31;
	s1 =	sadd.s32 s1, s30  }
0xbc: {  	s0 =	sor.u32 s3, s0;
	s1 =	sshll.u32 s1, $0x11  }
0xbd: {  	s0 =	sor.u32 s1, s0  }
0xbe: {  	s0 =	sadd.s32 $0x8F2B, s0  }
0xbf: {  	[sflag:s0] =	ssyncadd.remote.s32 $0x1  }
0xc0: {  	_ =	sfence.sel $0xFFFF  }
0xc1: {  	[dreg:$0x0] =	wrdreg $0xFFFFFFFF;
	(pc) =	sbr.abs _section_cstart, $3  }
0xc2: {  	[dreg:$0x1] =	wrdreg $0xFFFFFFFF  }
0xc3: {  	_ =	task.clear_ibuf [dreg:s8], $0x2FFFF;
	_ =	strace $0x9FFFFFFF  }
0xc4: {  	(tm) =	ssettm $0x7FFFFFFF  }
0xc5: {  	_ =	shalt  }
tec
execute0_lowered:
.L_overlay_start_1:
0x0: {  	(tag) =	ssettag $0x1  }
0x1: {  	s0 =	rddreg [dreg:$0x0]  }
0x2: {  	s1 =	rddreg [dreg:$0x1]  }
0x3: {  	s3 =	rddreg [dreg:$0x2];
	s2 =	srdreg.scid  }
0x4: {  	s4 =	simm.s32 $0x0;
	s9 =	stileid.u32;
	s8 =	simm.s32 $0x1  }
0x5: {  	s7 =	simm.s32 $0x1;
	s14 =	simm.s32 $0x200;
	s17 =	simm.s32 $0x500  }
0x6: {  	s18 =	simm.s32 $0x1500;
	s19 =	simm.s32 $0x700;
	s20 =	simm.s32 $0x1700  }
0x7: {  	s28 =	simm.s32 $0x2F00;
	s29 =	simm.s32 $0x2100;
	s30 =	simm.s32 $0x3100  }
0x8: {  	s31 =	simm.s32 $0x2300;
	s12 =	simm.s32 $0x3500;
	s10 =	simm.s32 $0x0  }
0x9: {  	s2 =	sand.u32 $0x1, s2;
	[smem:$0x7FF] =	sst s4;
	s21 =	sadd.s32 $0x400, s0  }
0xa: {  	s0 =	sadd.s32 $0x600, s0;
	s5 =	sor.u32 s2, s9;
	_ =	strace $0x80000047  }
0xb: {  	p1 =	seq.s32 s2, $0x1;
	[dreg:$0x4] =	wrdreg s21;
	s22 =	ssub.s32 $0x2, s2  }
0xc: {  	[dreg:$0x5] =	wrdreg s0;
	p0 =	seq.s32 s5, $0x0;
	s6 =	sshrl.u32 s22, $0x1  }
0xd: {  	s21 =	simm.s32 $0x900;
	p0 =	por !p0, !p1;
	s23 =	ssub.s32 s22, s6  }
0xe: {  	s6 =	simm.s32 $0x2;
	p0 =	por !p0, !p0;
	s0 =	smax.u32 s23, $0x1  }
0xf: {  	s22 =	simm.s32 $0x1900;
	s8 =	simm.s32 @!p0 $0x0;
	[dreg:$0x6] =	wrdreg s0  }
0x10: {  	s0 =	simm.s32 $0x3300;
	s24 =	ssub.s32 s9, s8;
	s8 =	sshll.u32 s2, $0x8  }
0x11: {  	v1 =	vimm.s32 $0x0;
	s2 =	simm.s32 $0x1B00;
	s9 =	sshll.u32 s24, $0x12;
	s25 =	sshll.u32 s24, $0x6  }
0x12: {  	v2 =	vimm.s32 $0x1;
	v3 =	vimm.s32 $0x2;
	v4 =	vimm.s32 $0x3;
	s23 =	sand.u32 $0x180, s8;
	s24 =	simm.s32 $0x1D00;
	s26 =	sshra.s32 s25, $0x2  }
0x13: {  	v5 =	vimm.s32 $0x4;
	v6 =	vimm.s32 $0x5;
	s25 =	simm.s32 $0x2D00;
	v0 =	vmov s9;
	[dreg:$0x7] =	wrdreg s26;
	s26 =	simm.s32 $0x1F00  }
.LBB2_1:
0x14: {  	[dreg:$0x8] =	wrdreg s10  }
0x15: {  	s5 =	rddreg [dreg:$0x4]  }
0x16: {  	[tilespmem:s4], [sflag:$0x2] =	stream.linear.gather [hbm4b:s5+s4], $0x100, $0x38;
	[tilespmem:$0x3700] =	vst v63  }
0x17: {  	_ =	swait.ge [sflag:s6], $0x100  }
0x18: {  	[sflag:s6] =	ssyncset.done $0x0  }
0x19: {  	s15 =	simm.s32 $0x100;
	s13 =	rddreg [dreg:$0x5];
	[sflag:s6] =	ssyncadd.s32 $0xFFFFFF00  }
0x1a: {  	[tilespmem:s15], [sflag:$0x2] =	stream.linear.gather [hbm4b:s13+s4], $0x200, $0x38;
	[tilespmem:$0x3700] =	vst v63  }
0x1b: {  	_ =	swait.ge [sflag:s6], $0x200  }
0x1c: {  	[sflag:s6] =	ssyncset.done $0x0  }
0x1d: {  	s16 =	rddreg [dreg:$0x7];
	[sflag:s6] =	ssyncadd.s32 $0xFFFFFE00  }
0x1e: {  	v12 =	vld [tilespmem:s16+$0x0]  }
0x1f: {  	v9 =	vld [tilespmem:s8+$0x100];
	_ =	sdelay $0x2  }
0x20: {  	s6 =	simm.s32 $0x0  }
0x21: {  	v15 =	vld [tilespmem:s6+$0x100];
	v7 =	vperm.xlane v12, v1  }
0x22: {  	v8 =	vperm.xlane v12, v2;
	v13 =	vperm.xlane v9, v1  }
0x23: {  	v9 =	vperm.xlane v12, v3;
	v10 =	vperm.xlane v12, v5  }
0x24: {  	v11 =	vperm.xlane v12, v4;
	v14 =	vmul.f32 v13, v8  }
0x25: {  	v12 =	vperm.xlane v12, v6;
	v13 =	vmul.f32 v13, v10  }
0x26: {  	v16 =	vmul.f32 v15, v7;
	v14 =	vadd.f32 v14, v9  }
0x27: {  	v15 =	vmul.f32 v15, v11;
	v13 =	vadd.f32 v13, v12  }
0x28: {  	v16 =	vadd.f32 v16, v14  }
0x29: {  	v15 =	vadd.f32 v15, v13  }
0x2a: {  	v17 =	vshrl.u32 v16, $0x10  }
0x2b: {  	v18 =	vshrl.u32 v15, $0x10;
	v17 =	vand.u32 $0x1, v17  }
0x2c: {  	v16 =	vadd.s32 v17, v16;
	v17 =	vand.u32 $0x1, v18  }
0x2d: {  	v16 =	vadd.s32 $0x7FFF, v16;
	v15 =	vadd.s32 v17, v15  }
0x2e: {  	v16 =	vand.u32 $0xFFFF0000, v16;
	v15 =	vadd.s32 $0x7FFF, v15  }
0x2f: {  	v16 =	vmul.f32 $2.560000000e+02, v16;
	v15 =	vand.u32 $0xFFFF0000, v15  }
0x30: {  	v15 =	vmul.f32 $2.560000000e+02, v15  }
0x31: {  	v16 =	vadd.f32 $2.560000000e+02, v16  }
0x32: {  	v15 =	vadd.f32 $2.560000000e+02, v15  }
0x33: {  	v17 =	vtrunc.f32 v16  }
0x34: {  	v18 =	vcvt.f32.s32 v17;
	v19 =	vtrunc.f32 v15  }
0x35: {  	vm0 =	vlt.f32 v16, v17;
	v17 =	vcvt.f32.s32 v19;
	vm1 =	vlt.f32 v15, v19  }
0x36: {  	v19 =	vsel vm0, $0xFFFFFFFF, v1;
	v20 =	vsel vm1, $0xFFFFFFFF, v1  }
0x37: {  	v19 =	vadd.s32 v18, v19;
	v18 =	vadd.s32 v17, v20  }
0x38: {  	s10 =	simm.s32 $0x10;
	vm1 =	vgt.s32 v19, $0x0;
	v20 =	vadd.s32 $0x1, v19;
	v22 =	vadd.s32 $0x1, v18  }
0x39: {  	v17 =	vld [tilespmem:s10+$0x100];
	vm2 =	vgt.s32 v20, $0x0;
	vm0 =	vgt.s32 v18, $0x0;
	vm3 =	vgt.s32 v22, $0x0  }
0x3a: {  	s5 =	simm.s32 $0x80;
	v19 =	vnsel vm1, $0x0, v19;
	v21 =	vnsel vm2, $0x0, v20;
	v20 =	vnsel vm3, $0x0, v22  }
.LBB2_2:
0x3b: {  	p0 =	sne.s32 s5, $0x7C0;
	v21 =	vmin.u32 v21, $0x1FF;
	v18 =	vnsel vm0, $0x0, v18;
	v20 =	vmin.u32 v20, $0x1FF  }
0x3c: {  	v19 =	vmin.u32 v19, $0x1FF;
	v22 =	vcvt.s32.f32 v21;
	v23 =	vcvt.s32.f32 v20  }
0x3d: {  	v18 =	vmin.u32 v18, $0x1FF;
	v24 =	vcvt.s32.f32 v19;
	v20 =	vshll.u32 v20, $0x9  }
0x3e: {  	v25 =	vmul.f32 v17, v7;
	v22 =	vsub.f32 v16, v22;
	v23 =	vsub.f32 v15, v23  }
0x3f: {  	v17 =	vmul.f32 v17, v11;
	v16 =	vsub.f32 v16, v24;
	v24 =	vcvt.s32.f32 v18  }
0x40: {  	v25 =	vadd.f32 v25, v14;
	v22 =	vand.u32 $0x7FFFFFFF, v22;
	v23 =	vand.u32 $0x7FFFFFFF, v23  }
0x41: {  	v16 =	vand.u32 $0x7FFFFFFF, v16;
	v22 =	vsub.f32 $1.000000000e+00, v22;
	v23 =	vsub.f32 $1.000000000e+00, v23  }
0x42: {  	v18 =	vshll.u32 v18, $0x9;
	v17 =	vadd.f32 v17, v13;
	v15 =	vsub.f32 v15, v24  }
0x43: {  	v24 =	vshrl.u32 v25, $0x10;
	v22 =	vmax.f32 v22, $0.0e+00;
	v23 =	vmax.f32 v23, $0.0e+00  }
0x44: {  	v26 =	vshrl.u32 v17, $0x10;
	v24 =	vand.u32 $0x1, v24;
	v27 =	vmul.f32 v23, v22  }
0x45: {  	v15 =	vand.u32 $0x7FFFFFFF, v15;
	v24 =	vadd.s32 v24, v25;
	v25 =	vand.u32 $0x1, v26  }
0x46: {  	v16 =	vsub.f32 $1.000000000e+00, v16;
	v24 =	vadd.s32 $0x7FFF, v24;
	v17 =	vadd.s32 v25, v17;
	[tilespmem:s6+$0x1100] =	vst v27  }
0x47: {  	v15 =	vsub.f32 $1.000000000e+00, v15;
	v24 =	vand.u32 $0xFFFF0000, v24;
	v17 =	vadd.s32 $0x7FFF, v17  }
0x48: {  	v25 =	vmax.f32 v16, $0.0e+00;
	v24 =	vmul.f32 $2.560000000e+02, v24;
	v17 =	vand.u32 $0xFFFF0000, v17  }
0x49: {  	v15 =	vmax.f32 v15, $0.0e+00;
	v23 =	vmul.f32 v23, v25;
	v17 =	vmul.f32 $2.560000000e+02, v17  }
0x4a: {  	v22 =	vmul.f32 v22, v15;
	v16 =	vadd.f32 $2.560000000e+02, v24;
	v24 =	vmul.f32 v15, v25  }
0x4b: {  	v15 =	vadd.f32 $2.560000000e+02, v17;
	v17 =	vor.u32 v0, v18;
	v18 =	vor.u32 v0, v20;
	[tilespmem:s6+$0xF00] =	vst v23  }
0x4c: {  	v20 =	vtrunc.f32 v16;
	v23 =	vor.u32 v19, v18;
	v18 =	vor.u32 v21, v18;
	[tilespmem:s6+$0xD00] =	vst v22  }
0x4d: {  	v19 =	vor.u32 v19, v17;
	v22 =	vcvt.f32.s32 v20;
	v25 =	vtrunc.f32 v15;
	[tilespmem:s6+$0xB00] =	vst v24  }
0x4e: {  	vm0 =	vlt.f32 v16, v20;
	v20 =	vcvt.f32.s32 v25;
	vm1 =	vlt.f32 v15, v25;
	[tilespmem:s6+$0x700] =	vst v23  }
.Ltmp0:
0x4f: {  	v17 =	vor.u32 v21, v17;
	v23 =	vsel vm0, $0xFFFFFFFF, v1;
	v24 =	vsel vm1, $0xFFFFFFFF, v1;
	[tilespmem:s6+$0x900] =	vst v18;
	(pc) =	sbr.rel @p0 .LBB2_2-.Ltmp0, $4  }
0x50: {  	v21 =	vadd.s32 v22, v23;
	v18 =	vadd.s32 v20, v24;
	[tilespmem:s6+$0x300] =	vst v19  }
0x51: {  	vm1 =	vgt.s32 v21, $0x0;
	v20 =	vadd.s32 $0x1, v21;
	v22 =	vadd.s32 $0x1, v18;
	[tilespmem:s6+$0x500] =	vst v17;
	s6 =	smov.u32 s10;
	s10 =	sshra.s32 s5, $0x2  }
0x52: {  	vm0 =	vgt.s32 v18, $0x0;
	vm2 =	vgt.s32 v20, $0x0;
	vm3 =	vgt.s32 v22, $0x0;
	v17 =	vld [tilespmem:s10+$0x100]  }
0x53: {  	s5 =	sadd.s32 $0x40, s5;
	v19 =	vnsel vm1, $0x0, v21;
	v21 =	vnsel vm2, $0x0, v20;
	v20 =	vnsel vm3, $0x0, v22  }
0x54: {  	v21 =	vmin.u32 v21, $0x1FF;
	v18 =	vnsel vm0, $0x0, v18  }
0x55: {  	v20 =	vmin.u32 v20, $0x1FF;
	v19 =	vmin.u32 v19, $0x1FF;
	v22 =	vcvt.s32.f32 v21  }
0x56: {  	v24 =	vcvt.s32.f32 v20;
	v18 =	vmin.u32 v18, $0x1FF;
	v25 =	vcvt.s32.f32 v19  }
0x57: {  	v20 =	vshll.u32 v20, $0x9;
	v43 =	vcvt.s32.f32 v18;
	v23 =	vmul.f32 v17, v7  }
0x58: {  	v18 =	vshll.u32 v18, $0x9;
	v40 =	vmul.f32 v17, v11;
	v22 =	vsub.f32 v16, v22  }
0x59: {  	v20 =	vor.u32 v0, v20;
	v41 =	vsub.f32 v15, v24;
	v14 =	vadd.f32 v23, v14  }
0x5a: {  	v42 =	vsub.f32 v16, v25;
	v55 =	vor.u32 v0, v18;
	v13 =	vadd.f32 v40, v13  }
0x5b: {  	v56 =	vor.u32 v19, v20;
	v15 =	vsub.f32 v15, v43;
	v44 =	vshrl.u32 v14, $0x10  }
0x5c: {  	v22 =	vand.u32 $0x7FFFFFFF, v22;
	v45 =	vshrl.u32 v13, $0x10;
	v24 =	vand.u32 $0x1, v44  }
0x5d: {  	v23 =	vand.u32 $0x7FFFFFFF, v41;
	v46 =	vand.u32 $0x1, v45;
	v14 =	vadd.s32 v24, v14  }
0x5e: {  	v16 =	vand.u32 $0x7FFFFFFF, v42;
	v13 =	vadd.s32 v46, v13;
	v14 =	vadd.s32 $0x7FFF, v14  }
0x5f: {  	v22 =	vsub.f32 $1.000000000e+00, v22;
	v13 =	vadd.s32 $0x7FFF, v13;
	v14 =	vand.u32 $0xFFFF0000, v14  }
0x60: {  	v47 =	vsub.f32 $1.000000000e+00, v23;
	v13 =	vand.u32 $0xFFFF0000, v13;
	v14 =	vmul.f32 $2.560000000e+02, v14  }
0x61: {  	v15 =	vand.u32 $0x7FFFFFFF, v15;
	v16 =	vsub.f32 $1.000000000e+00, v16;
	v13 =	vmul.f32 $2.560000000e+02, v13  }
0x62: {  	v19 =	vor.u32 v19, v55;
	v15 =	vsub.f32 $1.000000000e+00, v15;
	v14 =	vadd.f32 $2.560000000e+02, v14  }
0x63: {  	v22 =	vmax.f32 v22, $0.0e+00;
	v17 =	vmax.f32 v47, $0.0e+00;
	v13 =	vadd.f32 $2.560000000e+02, v13  }
0x64: {  	v16 =	vmax.f32 v16, $0.0e+00;
	v48 =	vmul.f32 v17, v22;
	v49 =	vtrunc.f32 v14  }
0x65: {  	v15 =	vmax.f32 v15, $0.0e+00;
	v26 =	vtrunc.f32 v13;
	v50 =	vcvt.f32.s32 v49  }
0x66: {  	vm11 =	vlt.f32 v14, v49;
	v51 =	vcvt.f32.s32 v26;
	vm1 =	vlt.f32 v13, v26  }
0x67: {  	v17 =	vmul.f32 v17, v16;
	v52 =	vsel vm11, $0xFFFFFFFF, v1;
	v27 =	vsel vm1, $0xFFFFFFFF, v1  }
0x68: {  	v16 =	vmul.f32 v15, v16;
	v25 =	vadd.s32 v50, v52;
	v24 =	vadd.s32 v51, v27  }
0x69: {  	vm12 =	vgt.s32 v25, $0x0;
	v26 =	vadd.s32 $0x1, v25;
	v27 =	vadd.s32 $0x1, v24  }
0x6a: {  	vm15 =	vgt.s32 v24, $0x0;
	vm13 =	vgt.s32 v26, $0x0;
	vm14 =	vgt.s32 v27, $0x0  }
0x6b: {  	v25 =	vnsel vm12, $0x0, v25;
	v26 =	vnsel vm13, $0x0, v26;
	v27 =	vnsel vm14, $0x0, v27  }
0x6c: {  	v24 =	vnsel vm15, $0x0, v24;
	v26 =	vmin.u32 v26, $0x1FF;
	v27 =	vmin.u32 v27, $0x1FF  }
0x6d: {  	v25 =	vmin.u32 v25, $0x1FF;
	v28 =	vcvt.s32.f32 v26;
	v53 =	vcvt.s32.f32 v27  }
0x6e: {  	v15 =	vmul.f32 v22, v15;
	v24 =	vmin.u32 v24, $0x1FF;
	v29 =	vcvt.s32.f32 v25  }
0x6f: {  	[tilespmem:s6+$0x700] =	vst v56;
	v54 =	vcvt.s32.f32 v24;
	v28 =	vsub.f32 v14, v28;
	v22 =	vsub.f32 v13, v53  }
0x70: {  	[tilespmem:s6+$0x300] =	vst v19;
	v14 =	vsub.f32 v14, v29  }
0x71: {  	[tilespmem:s6+$0x1100] =	vst v48;
	v13 =	vsub.f32 v13, v54;
	v57 =	vand.u32 $0x7FFFFFFF, v28;
	v22 =	vand.u32 $0x7FFFFFFF, v22  }
0x72: {  	[tilespmem:s6+$0xF00] =	vst v17;
	v14 =	vand.u32 $0x7FFFFFFF, v14;
	v58 =	vsub.f32 $1.000000000e+00, v57;
	v59 =	vsub.f32 $1.000000000e+00, v22  }
0x73: {  	[tilespmem:s6+$0xD00] =	vst v15;
	v15 =	vor.u32 v21, v20;
	v13 =	vand.u32 $0x7FFFFFFF, v13;
	v14 =	vsub.f32 $1.000000000e+00, v14  }
0x74: {  	[tilespmem:s6+$0x900] =	vst v15;
	v13 =	vsub.f32 $1.000000000e+00, v13;
	v15 =	vmax.f32 v58, $0.0e+00;
	v60 =	vmax.f32 v59, $0.0e+00  }
0x75: {  	v17 =	vor.u32 v21, v55;
	[tilespmem:s6+$0xB00] =	vst v16;
	v14 =	vmax.f32 v14, $0.0e+00;
	v61 =	vmul.f32 v60, v15  }
0x76: {  	[tilespmem:s6+$0x500] =	vst v17;
	v13 =	vmax.f32 v13, $0.0e+00;
	v16 =	vmul.f32 v60, v14  }
0x77: {  	v15 =	vmul.f32 v15, v13;
	[tilespmem:s10+$0x1100] =	vst v61  }
0x78: {  	v62 =	vshll.u32 v27, $0x9;
	v13 =	vmul.f32 v13, v14;
	[tilespmem:s10+$0xF00] =	vst v16  }
0x79: {  	v14 =	vor.u32 v0, v62;
	[tilespmem:s10+$0xD00] =	vst v15  }
0x7a: {  	v63 =	vor.u32 v25, v14;
	v15 =	vshll.u32 v24, $0x9;
	[tilespmem:s10+$0xB00] =	vst v13  }
0x7b: {  	v14 =	vor.u32 v26, v14;
	[tilespmem:s10+$0x700] =	vst v63;
	v13 =	vor.u32 v0, v15  }
0x7c: {  	[tilespmem:s10+$0x900] =	vst v14;
	v15 =	vor.u32 v25, v13  }
0x7d: {  	v13 =	vor.u32 v26, v13;
	[tilespmem:s10+$0x300] =	vst v15  }
0x7e: {  	s5 =	simm.s32 $0x300;
	s16 =	simm.s32 $0x1300;
	[tilespmem:s10+$0x500] =	vst v13  }
0x7f: {  	[tilespmem:s16], [sflag:$0x1] =	stream.indirect.gather [hbm4b:s1+s14], $0x1, s5, s14, $0xb8;
	[tilespmem:$0x3700] =	vst v63  }
0x80: {  	_ = 	snop  }
0x81: {  	[tilespmem:s18], [sflag:$0x1] =	stream.indirect.gather [hbm4b:s1+s14], $0x1, s17, s14, $0xb8;
	[tilespmem:$0x3700] =	vst v63  }
0x82: {  	_ = 	snop  }
0x83: {  	[tilespmem:s20], [sflag:$0x1] =	stream.indirect.gather [hbm4b:s1+s14], $0x1, s19, s14, $0xb8;
	[tilespmem:$0x3700] =	vst v63  }
0x84: {  	s6 =	simm.s32 $0x0  }
0x85: {  	[tilespmem:s22], [sflag:$0x1] =	stream.indirect.gather [hbm4b:s1+s14], $0x1, s21, s14, $0xb8;
	[tilespmem:$0x3700] =	vst v63  }
.LBB2_4:
0x86: {  	s5 =	sshll.u32 s6, $0x1  }
0x87: {  	s10 =	sand.u32 $0x1F0, s5  }
0x88: {  	s10 =	sor.u32 s23, s10  }
0x89: {  	v13 =	vld [tilespmem:s10+$0x100];
	_ =	sdelay $0x1  }
0x8a: {  	s13 =	sor.u32 s8, s5  }
0x8b: {  	s11 =	simm.s32 $0x0;
	s10 =	sor.u32 $0x1, s13  }
0x8c: {  	v15 =	vld [tilespmem:s11+$0x100];
	v14 =	vmov s10  }
0x8d: {  	v13 =	vperm.xlane v13, v14;
	_ =	sdelay $0x1  }
0x8e: {  	v14 =	vmul.f32 v13, v8  }
0x8f: {  	v13 =	vmul.f32 v13, v10  }
0x90: {  	v16 =	vmul.f32 v15, v7;
	v14 =	vadd.f32 v14, v9  }
0x91: {  	v15 =	vmul.f32 v15, v11;
	v13 =	vadd.f32 v13, v12  }
0x92: {  	v16 =	vadd.f32 v16, v14  }
0x93: {  	v15 =	vadd.f32 v15, v13  }
0x94: {  	v17 =	vshrl.u32 v16, $0x10  }
0x95: {  	v18 =	vshrl.u32 v15, $0x10;
	v17 =	vand.u32 $0x1, v17  }
0x96: {  	v16 =	vadd.s32 v17, v16;
	v17 =	vand.u32 $0x1, v18  }
0x97: {  	v16 =	vadd.s32 $0x7FFF, v16;
	v15 =	vadd.s32 v17, v15  }
0x98: {  	v16 =	vand.u32 $0xFFFF0000, v16;
	v15 =	vadd.s32 $0x7FFF, v15  }
0x99: {  	v16 =	vmul.f32 $2.560000000e+02, v16;
	v15 =	vand.u32 $0xFFFF0000, v15  }
0x9a: {  	v15 =	vmul.f32 $2.560000000e+02, v15  }
0x9b: {  	v16 =	vadd.f32 $2.560000000e+02, v16  }
0x9c: {  	v15 =	vadd.f32 $2.560000000e+02, v15  }
0x9d: {  	v17 =	vtrunc.f32 v16  }
0x9e: {  	v18 =	vcvt.f32.s32 v17;
	v19 =	vtrunc.f32 v15  }
0x9f: {  	vm0 =	vlt.f32 v16, v17;
	v17 =	vcvt.f32.s32 v19;
	vm1 =	vlt.f32 v15, v19  }
0xa0: {  	v19 =	vsel vm0, $0xFFFFFFFF, v1;
	v20 =	vsel vm1, $0xFFFFFFFF, v1  }
0xa1: {  	v19 =	vadd.s32 v18, v19;
	v18 =	vadd.s32 v17, v20  }
0xa2: {  	s5 =	simm.s32 $0x10;
	vm1 =	vgt.s32 v19, $0x0;
	v20 =	vadd.s32 $0x1, v19;
	v22 =	vadd.s32 $0x1, v18  }
0xa3: {  	v17 =	vld [tilespmem:s5+$0x100];
	vm2 =	vgt.s32 v20, $0x0;
	vm0 =	vgt.s32 v18, $0x0;
	vm3 =	vgt.s32 v22, $0x0  }
0xa4: {  	s15 =	simm.s32 $0x80;
	v19 =	vnsel vm1, $0x0, v19;
	v21 =	vnsel vm2, $0x0, v20;
	v20 =	vnsel vm3, $0x0, v22  }
.LBB2_5:
0xa5: {  	p0 =	sne.s32 s15, $0x7C0;
	v21 =	vmin.u32 v21, $0x1FF;
	v18 =	vnsel vm0, $0x0, v18;
	v20 =	vmin.u32 v20, $0x1FF  }
0xa6: {  	v19 =	vmin.u32 v19, $0x1FF;
	v22 =	vcvt.s32.f32 v21;
	v23 =	vcvt.s32.f32 v20  }
0xa7: {  	v18 =	vmin.u32 v18, $0x1FF;
	v24 =	vcvt.s32.f32 v19;
	v20 =	vshll.u32 v20, $0x9  }
0xa8: {  	v25 =	vmul.f32 v17, v7;
	v22 =	vsub.f32 v16, v22;
	v23 =	vsub.f32 v15, v23  }
0xa9: {  	v17 =	vmul.f32 v17, v11;
	v16 =	vsub.f32 v16, v24;
	v24 =	vcvt.s32.f32 v18  }
0xaa: {  	v25 =	vadd.f32 v25, v14;
	v22 =	vand.u32 $0x7FFFFFFF, v22;
	v23 =	vand.u32 $0x7FFFFFFF, v23  }
0xab: {  	v16 =	vand.u32 $0x7FFFFFFF, v16;
	v22 =	vsub.f32 $1.000000000e+00, v22;
	v23 =	vsub.f32 $1.000000000e+00, v23  }
0xac: {  	v18 =	vshll.u32 v18, $0x9;
	v17 =	vadd.f32 v17, v13;
	v15 =	vsub.f32 v15, v24  }
0xad: {  	v24 =	vshrl.u32 v25, $0x10;
	v22 =	vmax.f32 v22, $0.0e+00;
	v23 =	vmax.f32 v23, $0.0e+00  }
0xae: {  	v26 =	vshrl.u32 v17, $0x10;
	v24 =	vand.u32 $0x1, v24;
	v27 =	vmul.f32 v23, v22  }
0xaf: {  	v15 =	vand.u32 $0x7FFFFFFF, v15;
	v24 =	vadd.s32 v24, v25;
	v25 =	vand.u32 $0x1, v26  }
0xb0: {  	v16 =	vsub.f32 $1.000000000e+00, v16;
	v24 =	vadd.s32 $0x7FFF, v24;
	v17 =	vadd.s32 v25, v17;
	[tilespmem:s11+$0x2B00] =	vst v27  }
0xb1: {  	v15 =	vsub.f32 $1.000000000e+00, v15;
	v24 =	vand.u32 $0xFFFF0000, v24;
	v17 =	vadd.s32 $0x7FFF, v17  }
0xb2: {  	v25 =	vmax.f32 v16, $0.0e+00;
	v24 =	vmul.f32 $2.560000000e+02, v24;
	v17 =	vand.u32 $0xFFFF0000, v17  }
0xb3: {  	v15 =	vmax.f32 v15, $0.0e+00;
	v23 =	vmul.f32 v23, v25;
	v17 =	vmul.f32 $2.560000000e+02, v17  }
0xb4: {  	v22 =	vmul.f32 v22, v15;
	v16 =	vadd.f32 $2.560000000e+02, v24;
	v24 =	vmul.f32 v15, v25  }
0xb5: {  	v15 =	vadd.f32 $2.560000000e+02, v17;
	v17 =	vor.u32 v0, v18;
	v18 =	vor.u32 v0, v20;
	[tilespmem:s11+$0x2900] =	vst v23  }
0xb6: {  	v20 =	vtrunc.f32 v16;
	v23 =	vor.u32 v19, v18;
	v18 =	vor.u32 v21, v18;
	[tilespmem:s11+$0x2700] =	vst v22  }
0xb7: {  	v19 =	vor.u32 v19, v17;
	v22 =	vcvt.f32.s32 v20;
	v25 =	vtrunc.f32 v15;
	[tilespmem:s11+$0x2500] =	vst v24  }
0xb8: {  	vm0 =	vlt.f32 v16, v20;
	v20 =	vcvt.f32.s32 v25;
	vm1 =	vlt.f32 v15, v25;
	[tilespmem:s11+$0x2100] =	vst v23  }
.Ltmp1:
0xb9: {  	v17 =	vor.u32 v21, v17;
	v23 =	vsel vm0, $0xFFFFFFFF, v1;
	v24 =	vsel vm1, $0xFFFFFFFF, v1;
	[tilespmem:s11+$0x2300] =	vst v18;
	(pc) =	sbr.rel @p0 .LBB2_5-.Ltmp1, $4  }
0xba: {  	v21 =	vadd.s32 v22, v23;
	v18 =	vadd.s32 v20, v24;
	[tilespmem:s11+$0x1D00] =	vst v19  }
0xbb: {  	vm1 =	vgt.s32 v21, $0x0;
	v20 =	vadd.s32 $0x1, v21;
	v22 =	vadd.s32 $0x1, v18;
	[tilespmem:s11+$0x1F00] =	vst v17;
	s11 =	smov.u32 s5;
	s5 =	sshra.s32 s15, $0x2  }
0xbc: {  	vm0 =	vgt.s32 v18, $0x0;
	vm2 =	vgt.s32 v20, $0x0;
	vm3 =	vgt.s32 v22, $0x0;
	v17 =	vld [tilespmem:s5+$0x100]  }
0xbd: {  	s15 =	sadd.s32 $0x40, s15;
	v19 =	vnsel vm1, $0x0, v21;
	v21 =	vnsel vm2, $0x0, v20;
	v20 =	vnsel vm3, $0x0, v22  }
0xbe: {  	_ = 	snop  }
0xbf: {  	v21 =	vmin.u32 v21, $0x1FF;
	v18 =	vnsel vm0, $0x0, v18;
	v20 =	vmin.u32 v20, $0x1FF  }
0xc0: {  	v19 =	vmin.u32 v19, $0x1FF;
	v22 =	vcvt.s32.f32 v21;
	v24 =	vcvt.s32.f32 v20  }
0xc1: {  	v18 =	vmin.u32 v18, $0x1FF;
	v25 =	vcvt.s32.f32 v19;
	v23 =	vmul.f32 v17, v7  }
0xc2: {  	v20 =	vshll.u32 v20, $0x9;
	v17 =	vmul.f32 v17, v11;
	v22 =	vsub.f32 v16, v22  }
0xc3: {  	v20 =	vor.u32 v0, v20;
	v51 =	vsub.f32 v15, v24;
	v14 =	vadd.f32 v23, v14  }
0xc4: {  	v16 =	vsub.f32 v16, v25;
	v13 =	vadd.f32 v17, v13;
	v17 =	vcvt.s32.f32 v18  }
0xc5: {  	v22 =	vand.u32 $0x7FFFFFFF, v22;
	v23 =	vand.u32 $0x7FFFFFFF, v51;
	v52 =	vshrl.u32 v14, $0x10  }
0xc6: {  	v16 =	vand.u32 $0x7FFFFFFF, v16;
	v53 =	vshrl.u32 v13, $0x10;
	v24 =	vand.u32 $0x1, v52  }
0xc7: {  	v22 =	vsub.f32 $1.000000000e+00, v22;
	v54 =	vand.u32 $0x1, v53;
	v14 =	vadd.s32 v24, v14  }
0xc8: {  	v16 =	vsub.f32 $1.000000000e+00, v16;
	v13 =	vadd.s32 v54, v13;
	v14 =	vadd.s32 $0x7FFF, v14  }
0xc9: {  	v15 =	vsub.f32 v15, v17;
	v13 =	vadd.s32 $0x7FFF, v13;
	v14 =	vand.u32 $0xFFFF0000, v14  }
0xca: {  	v17 =	vsub.f32 $1.000000000e+00, v23;
	v13 =	vand.u32 $0xFFFF0000, v13;
	v14 =	vmul.f32 $2.560000000e+02, v14  }
0xcb: {  	v22 =	vmax.f32 v22, $0.0e+00;
	v16 =	vmax.f32 v16, $0.0e+00;
	v13 =	vmul.f32 $2.560000000e+02, v13  }
0xcc: {  	v15 =	vand.u32 $0x7FFFFFFF, v15;
	v17 =	vmax.f32 v17, $0.0e+00;
	v14 =	vadd.f32 $2.560000000e+02, v14  }
0xcd: {  	v15 =	vsub.f32 $1.000000000e+00, v15;
	v55 =	vmul.f32 v17, v22;
	v13 =	vadd.f32 $2.560000000e+02, v13  }
0xce: {  	v18 =	vshll.u32 v18, $0x9;
	v17 =	vmul.f32 v17, v16;
	v56 =	vtrunc.f32 v14  }
0xcf: {  	v15 =	vmax.f32 v15, $0.0e+00;
	v26 =	vtrunc.f32 v13;
	v57 =	vcvt.f32.s32 v56  }
0xd0: {  	vm11 =	vlt.f32 v14, v56;
	v58 =	vcvt.f32.s32 v26;
	vm1 =	vlt.f32 v13, v26  }
0xd1: {  	[tilespmem:s11+$0x2900] =	vst v17;
	v17 =	vor.u32 v0, v18;
	v59 =	vsel vm11, $0xFFFFFFFF, v1;
	v27 =	vsel vm1, $0xFFFFFFFF, v1  }
0xd2: {  	v16 =	vmul.f32 v15, v16;
	v25 =	vadd.s32 v57, v59;
	v24 =	vadd.s32 v58, v27  }
0xd3: {  	vm12 =	vgt.s32 v25, $0x0;
	v26 =	vadd.s32 $0x1, v25;
	v27 =	vadd.s32 $0x1, v24  }
0xd4: {  	vm15 =	vgt.s32 v24, $0x0;
	vm13 =	vgt.s32 v26, $0x0;
	vm14 =	vgt.s32 v27, $0x0  }
0xd5: {  	v25 =	vnsel vm12, $0x0, v25;
	v26 =	vnsel vm13, $0x0, v26;
	v27 =	vnsel vm14, $0x0, v27  }
0xd6: {  	v24 =	vnsel vm15, $0x0, v24;
	v26 =	vmin.u32 v26, $0x1FF;
	v27 =	vmin.u32 v27, $0x1FF  }
0xd7: {  	v25 =	vmin.u32 v25, $0x1FF;
	v28 =	vcvt.s32.f32 v26;
	v60 =	vcvt.s32.f32 v27  }
0xd8: {  	v15 =	vmul.f32 v22, v15;
	v24 =	vmin.u32 v24, $0x1FF;
	v29 =	vcvt.s32.f32 v25  }
0xd9: {  	v61 =	vcvt.s32.f32 v24;
	v28 =	vsub.f32 v14, v28;
	v22 =	vsub.f32 v13, v60  }
0xda: {  	v18 =	vor.u32 v19, v20;
	[tilespmem:s11+$0x2700] =	vst v15;
	v15 =	vor.u32 v21, v20;
	v14 =	vsub.f32 v14, v29  }
0xdb: {  	[tilespmem:s11+$0x2B00] =	vst v55;
	v13 =	vsub.f32 v13, v61;
	v20 =	vand.u32 $0x7FFFFFFF, v28;
	v22 =	vand.u32 $0x7FFFFFFF, v22  }
0xdc: {  	[tilespmem:s11+$0x2500] =	vst v16;
	v14 =	vand.u32 $0x7FFFFFFF, v14;
	v16 =	vsub.f32 $1.000000000e+00, v20;
	v20 =	vsub.f32 $1.000000000e+00, v22  }
0xdd: {  	v19 =	vor.u32 v19, v17;
	[tilespmem:s11+$0x2100] =	vst v18;
	v13 =	vand.u32 $0x7FFFFFFF, v13;
	v14 =	vsub.f32 $1.000000000e+00, v14  }
0xde: {  	[tilespmem:s11+$0x2300] =	vst v15;
	v13 =	vsub.f32 $1.000000000e+00, v13;
	v15 =	vmax.f32 v16, $0.0e+00;
	v16 =	vmax.f32 v20, $0.0e+00  }
0xdf: {  	v17 =	vor.u32 v21, v17;
	[tilespmem:s11+$0x1D00] =	vst v19;
	v14 =	vmax.f32 v14, $0.0e+00;
	v18 =	vmul.f32 v16, v15  }
0xe0: {  	[tilespmem:s11+$0x1F00] =	vst v17;
	v13 =	vmax.f32 v13, $0.0e+00;
	v16 =	vmul.f32 v16, v14  }
0xe1: {  	v15 =	vmul.f32 v15, v13;
	[tilespmem:s5+$0x2B00] =	vst v18  }
0xe2: {  	v17 =	vshll.u32 v27, $0x9;
	v13 =	vmul.f32 v13, v14;
	[tilespmem:s5+$0x2900] =	vst v16  }
0xe3: {  	v14 =	vor.u32 v0, v17;
	[tilespmem:s5+$0x2700] =	vst v15  }
0xe4: {  	v15 =	vshll.u32 v24, $0x9;
	v16 =	vor.u32 v25, v14;
	[tilespmem:s5+$0x2500] =	vst v13  }
0xe5: {  	v14 =	vor.u32 v26, v14;
	v13 =	vor.u32 v0, v15;
	[tilespmem:s5+$0x2100] =	vst v16  }
0xe6: {  	[tilespmem:s5+$0x2300] =	vst v14;
	v15 =	vor.u32 v25, v13  }
0xe7: {  	v13 =	vor.u32 v26, v13;
	[tilespmem:s5+$0x1D00] =	vst v15  }
0xe8: {  	[tilespmem:s5+$0x1F00] =	vst v13  }
0xe9: {  	[tilespmem:s25], [sflag:$0x1] =	stream.indirect.gather [hbm4b:s1+s14], $0x1, s24, s14, $0xb8;
	[tilespmem:$0x3700] =	vst v63  }
0xea: {  	_ = 	snop  }
0xeb: {  	[tilespmem:s28], [sflag:$0x1] =	stream.indirect.gather [hbm4b:s1+s14], $0x1, s26, s14, $0xb8;
	[tilespmem:$0x3700] =	vst v63  }
0xec: {  	_ = 	snop  }
0xed: {  	[tilespmem:s30], [sflag:$0x1] =	stream.indirect.gather [hbm4b:s1+s14], $0x1, s29, s14, $0xb8;
	[tilespmem:$0x3700] =	vst v63  }
0xee: {  	_ = 	snop  }
0xef: {  	[tilespmem:s0], [sflag:$0x1] =	stream.indirect.gather [hbm4b:s1+s14], $0x1, s31, s14, $0xb8;
	[tilespmem:$0x3700] =	vst v63  }
0xf0: {  	_ =	swait.ge [sflag:s7], $0x200  }
0xf1: {  	[sflag:s7] =	ssyncset.done $0x0  }
0xf2: {  	[sflag:s7] =	ssyncadd.s32 $0xFFFFFE00  }
0xf3: {  	_ =	swait.ge [sflag:s7], $0x200  }
0xf4: {  	[sflag:s7] =	ssyncset.done $0x0  }
0xf5: {  	[sflag:s7] =	ssyncadd.s32 $0xFFFFFE00  }
0xf6: {  	_ =	swait.ge [sflag:s7], $0x200  }
0xf7: {  	[sflag:s7] =	ssyncset.done $0x0  }
0xf8: {  	[sflag:s7] =	ssyncadd.s32 $0xFFFFFE00  }
0xf9: {  	_ =	swait.ge [sflag:s7], $0x200  }
0xfa: {  	p0 =	seq.s32 s6, $0x0;
	[sflag:s7] =	ssyncset.done $0x0  }
0xfb: {  	s5 =	simm.s32 @!p0 $0x2;
	[sflag:s7] =	ssyncadd.s32 $0xFFFFFE00  }
0xfc: {  	_ =	swait.ge @!p0 [sflag:s5], $0x200  }
0xfd: {  	[sflag:s5] =	ssyncset.done @!p0 $0x0  }
0xfe: {  	[sflag:s5] =	ssyncadd.s32 @!p0 $0xFFFFFE00;
	s5 =	simm.s32 $0x0  }
0xff: {  	v16 =	vld [tilespmem:s5+$0x1300]  }
0x100: {  	v17 =	vld [tilespmem:s5+$0xB00]  }
0x101: {  	v18 =	vld [tilespmem:s5+$0x1500]  }
0x102: {  	v19 =	vld [tilespmem:s5+$0xD00]  }
0x103: {  	v20 =	vld [tilespmem:s5+$0x1700]  }
0x104: {  	v62 =	vld [tilespmem:s5+$0xF00]  }
0x105: {  	v13 =	vld [tilespmem:s5+$0x1900]  }
0x106: {  	s11 =	simm.s32 $0x10;
	v15 =	vld [tilespmem:s5+$0x1100]  }
0x107: {  	v14 =	vld [tilespmem:s11+$0x1300];
	v63 =	vmul.f32 v17, v16;
	v18 =	vmul.f32 v19, v18  }
0x108: {  	v16 =	vld [tilespmem:s11+$0xB00]  }
0x109: {  	s15 =	simm.s32 $0x80;
	v17 =	vld [tilespmem:s11+$0x1500];
	v19 =	vmul.f32 v62, v20;
	v18 =	vadd.f32 v18, v63  }
.LBB2_7:
0x10a: {  	p1 =	sne.s32 s15, $0x7C0;
	v20 =	vld [tilespmem:s11+$0xD00]  }
0x10b: {  	v21 =	vld [tilespmem:s11+$0x1700];
	v18 =	vadd.f32 v19, v18;
	v15 =	vmul.f32 v15, v13  }
0x10c: {  	v19 =	vld [tilespmem:s11+$0xF00]  }
.Ltmp2:
0x10d: {  	v13 =	vld [tilespmem:s11+$0x1900];
	v18 =	vadd.f32 v15, v18;
	(pc) =	sbr.rel @p1 .LBB2_7-.Ltmp2, $4  }
0x10e: {  	s16 =	sshra.s32 s15, $0x2;
	v15 =	vld [tilespmem:s11+$0x1100]  }
0x10f: {  	v22 =	vmul.f32 v16, v14;
	v14 =	vld [tilespmem:s16+$0x1300];
	v20 =	vmul.f32 v20, v17;
	v17 =	vmax.f32 v18, $0.0e+00  }
0x110: {  	v16 =	vld [tilespmem:s16+$0xB00];
	v23 =	vmin.f32 v17, $1.000000000e+00  }
0x111: {  	s15 =	sadd.s32 $0x40, s15;
	v17 =	vld [tilespmem:s16+$0x1500];
	v18 =	vadd.f32 v20, v22;
	v19 =	vmul.f32 v19, v21;
	[tilespmem:s5+$0x1B00] =	vst v23;
	s5 =	smov.u32 s11;
	s11 =	smov.u32 s16  }
0x112: {  	v20 =	vld [tilespmem:s11+$0xD00]  }
0x113: {  	v21 =	vld [tilespmem:s11+$0x1700]  }
0x114: {  	v22 =	vld [tilespmem:s11+$0xF00]  }
0x115: {  	v23 =	vld [tilespmem:s11+$0x1900]  }
0x116: {  	v24 =	vld [tilespmem:s11+$0x1100]  }
0x117: {  	v14 =	vmul.f32 v16, v14;
	v61 =	vmul.f32 v20, v17;
	_ =	sdelay $0x1  }
0x118: {  	v62 =	vmul.f32 v22, v21;
	v14 =	vadd.f32 v61, v14  }
0x119: {  	v63 =	vadd.f32 v19, v18;
	v13 =	vmul.f32 v15, v13  }
0x11a: {  	v15 =	vmul.f32 v24, v23;
	v14 =	vadd.f32 v62, v14  }
0x11b: {  	v13 =	vadd.f32 v13, v63  }
0x11c: {  	p1 =	seq.s32 s6, $0x7F;
	v14 =	vadd.f32 v15, v14  }
.Ltmp3:
0x11d: {  	s15 =	sshll.u32 s13, $0x9;
	v13 =	vmax.f32 v13, $0.0e+00;
	(pc) =	sbr.rel @p1 .LBB2_12-.Ltmp3, $4  }
0x11e: {  	s15 =	sadd.s32 s9, s15;
	v13 =	vmin.f32 v13, $1.000000000e+00;
	v14 =	vmax.f32 v14, $0.0e+00  }
0x11f: {  	s16 =	sshrl.u32 s15, $0x3;
	[tilespmem:s5+$0x1B00] =	vst v13;
	v13 =	vmin.f32 v14, $1.000000000e+00  }
0x120: {  	s5 =	sadd.s32 s3, s16;
	[tilespmem:s11+$0x1B00] =	vst v13  }
0x121: {  	[hbm4b:s5+s4] =	stream.linear.scatter [tilespmem:s2], [sflag:$0x2], $0x200, $0x38;
	[tilespmem:$0x3700] =	vst v63  }
0x122: {  	s5 =	sadd.s32 $0x2, s13  }
0x123: {  	s11 =	sand.u32 $0x3F0, s5  }
0x124: {  	v13 =	vld [tilespmem:s11+$0x100];
	_ =	sdelay $0x2  }
0x125: {  	s5 =	sand.u32 $0xE, s5;
	s11 =	simm.s32 $0x0  }
0x126: {  	v14 =	vmov s5;
	v15 =	vld [tilespmem:s11+$0x100]  }
0x127: {  	v13 =	vperm.xlane v13, v14;
	_ =	sdelay $0x1  }
0x128: {  	v14 =	vmul.f32 v13, v8  }
0x129: {  	v13 =	vmul.f32 v13, v10  }
0x12a: {  	v16 =	vmul.f32 v15, v7;
	v14 =	vadd.f32 v14, v9  }
0x12b: {  	v15 =	vmul.f32 v15, v11;
	v13 =	vadd.f32 v13, v12  }
0x12c: {  	v16 =	vadd.f32 v16, v14  }
0x12d: {  	v15 =	vadd.f32 v15, v13  }
0x12e: {  	v17 =	vshrl.u32 v16, $0x10  }
0x12f: {  	v18 =	vshrl.u32 v15, $0x10;
	v17 =	vand.u32 $0x1, v17  }
0x130: {  	v16 =	vadd.s32 v17, v16;
	v17 =	vand.u32 $0x1, v18  }
0x131: {  	v16 =	vadd.s32 $0x7FFF, v16;
	v15 =	vadd.s32 v17, v15  }
0x132: {  	v16 =	vand.u32 $0xFFFF0000, v16;
	v15 =	vadd.s32 $0x7FFF, v15  }
0x133: {  	v16 =	vmul.f32 $2.560000000e+02, v16;
	v15 =	vand.u32 $0xFFFF0000, v15  }
0x134: {  	v15 =	vmul.f32 $2.560000000e+02, v15  }
0x135: {  	v16 =	vadd.f32 $2.560000000e+02, v16  }
0x136: {  	v15 =	vadd.f32 $2.560000000e+02, v15  }
0x137: {  	v17 =	vtrunc.f32 v16  }
0x138: {  	v18 =	vcvt.f32.s32 v17;
	v19 =	vtrunc.f32 v15  }
0x139: {  	vm0 =	vlt.f32 v16, v17;
	v17 =	vcvt.f32.s32 v19;
	vm1 =	vlt.f32 v15, v19  }
0x13a: {  	v19 =	vsel vm0, $0xFFFFFFFF, v1;
	v20 =	vsel vm1, $0xFFFFFFFF, v1  }
0x13b: {  	v19 =	vadd.s32 v18, v19;
	v18 =	vadd.s32 v17, v20  }
0x13c: {  	s5 =	simm.s32 $0x10;
	vm1 =	vgt.s32 v19, $0x0;
	v20 =	vadd.s32 $0x1, v19;
	v22 =	vadd.s32 $0x1, v18  }
0x13d: {  	v17 =	vld [tilespmem:s5+$0x100];
	vm2 =	vgt.s32 v20, $0x0;
	vm0 =	vgt.s32 v18, $0x0;
	vm3 =	vgt.s32 v22, $0x0  }
0x13e: {  	s13 =	simm.s32 $0x80;
	v19 =	vnsel vm1, $0x0, v19;
	v21 =	vnsel vm2, $0x0, v20;
	v20 =	vnsel vm3, $0x0, v22  }
.LBB2_10:
0x13f: {  	p1 =	sne.s32 s13, $0x7C0;
	v21 =	vmin.u32 v21, $0x1FF;
	v18 =	vnsel vm0, $0x0, v18;
	v20 =	vmin.u32 v20, $0x1FF  }
0x140: {  	v19 =	vmin.u32 v19, $0x1FF;
	v22 =	vcvt.s32.f32 v21;
	v23 =	vcvt.s32.f32 v20  }
0x141: {  	v18 =	vmin.u32 v18, $0x1FF;
	v24 =	vcvt.s32.f32 v19;
	v20 =	vshll.u32 v20, $0x9  }
0x142: {  	v25 =	vmul.f32 v17, v7;
	v22 =	vsub.f32 v16, v22;
	v23 =	vsub.f32 v15, v23  }
0x143: {  	v17 =	vmul.f32 v17, v11;
	v16 =	vsub.f32 v16, v24;
	v24 =	vcvt.s32.f32 v18  }
0x144: {  	v25 =	vadd.f32 v25, v14;
	v22 =	vand.u32 $0x7FFFFFFF, v22;
	v23 =	vand.u32 $0x7FFFFFFF, v23  }
0x145: {  	v16 =	vand.u32 $0x7FFFFFFF, v16;
	v22 =	vsub.f32 $1.000000000e+00, v22;
	v23 =	vsub.f32 $1.000000000e+00, v23  }
0x146: {  	v18 =	vshll.u32 v18, $0x9;
	v17 =	vadd.f32 v17, v13;
	v15 =	vsub.f32 v15, v24  }
0x147: {  	v24 =	vshrl.u32 v25, $0x10;
	v22 =	vmax.f32 v22, $0.0e+00;
	v23 =	vmax.f32 v23, $0.0e+00  }
0x148: {  	v26 =	vshrl.u32 v17, $0x10;
	v24 =	vand.u32 $0x1, v24;
	v27 =	vmul.f32 v23, v22  }
0x149: {  	v15 =	vand.u32 $0x7FFFFFFF, v15;
	v24 =	vadd.s32 v24, v25;
	v25 =	vand.u32 $0x1, v26  }
0x14a: {  	v16 =	vsub.f32 $1.000000000e+00, v16;
	v24 =	vadd.s32 $0x7FFF, v24;
	v17 =	vadd.s32 v25, v17;
	[tilespmem:s11+$0x1100] =	vst v27  }
0x14b: {  	v15 =	vsub.f32 $1.000000000e+00, v15;
	v24 =	vand.u32 $0xFFFF0000, v24;
	v17 =	vadd.s32 $0x7FFF, v17  }
0x14c: {  	v25 =	vmax.f32 v16, $0.0e+00;
	v24 =	vmul.f32 $2.560000000e+02, v24;
	v17 =	vand.u32 $0xFFFF0000, v17  }
0x14d: {  	v15 =	vmax.f32 v15, $0.0e+00;
	v23 =	vmul.f32 v23, v25;
	v17 =	vmul.f32 $2.560000000e+02, v17  }
0x14e: {  	v22 =	vmul.f32 v22, v15;
	v16 =	vadd.f32 $2.560000000e+02, v24;
	v24 =	vmul.f32 v15, v25  }
0x14f: {  	v15 =	vadd.f32 $2.560000000e+02, v17;
	v17 =	vor.u32 v0, v18;
	v18 =	vor.u32 v0, v20;
	[tilespmem:s11+$0xF00] =	vst v23  }
0x150: {  	v20 =	vtrunc.f32 v16;
	v23 =	vor.u32 v19, v18;
	v18 =	vor.u32 v21, v18;
	[tilespmem:s11+$0xD00] =	vst v22  }
0x151: {  	v19 =	vor.u32 v19, v17;
	v22 =	vcvt.f32.s32 v20;
	v25 =	vtrunc.f32 v15;
	[tilespmem:s11+$0xB00] =	vst v24  }
0x152: {  	vm0 =	vlt.f32 v16, v20;
	v20 =	vcvt.f32.s32 v25;
	vm1 =	vlt.f32 v15, v25;
	[tilespmem:s11+$0x700] =	vst v23  }
.Ltmp4:
0x153: {  	v17 =	vor.u32 v21, v17;
	v23 =	vsel vm0, $0xFFFFFFFF, v1;
	v24 =	vsel vm1, $0xFFFFFFFF, v1;
	[tilespmem:s11+$0x900] =	vst v18;
	(pc) =	sbr.rel @p1 .LBB2_10-.Ltmp4, $4  }
0x154: {  	v21 =	vadd.s32 v22, v23;
	v18 =	vadd.s32 v20, v24;
	[tilespmem:s11+$0x300] =	vst v19  }
0x155: {  	vm1 =	vgt.s32 v21, $0x0;
	v20 =	vadd.s32 $0x1, v21;
	v22 =	vadd.s32 $0x1, v18;
	[tilespmem:s11+$0x500] =	vst v17;
	s11 =	smov.u32 s5;
	s5 =	sshra.s32 s13, $0x2  }
0x156: {  	vm0 =	vgt.s32 v18, $0x0;
	vm2 =	vgt.s32 v20, $0x0;
	vm3 =	vgt.s32 v22, $0x0;
	v17 =	vld [tilespmem:s5+$0x100]  }
0x157: {  	s13 =	sadd.s32 $0x40, s13;
	v19 =	vnsel vm1, $0x0, v21;
	v21 =	vnsel vm2, $0x0, v20;
	v20 =	vnsel vm3, $0x0, v22  }
0x158: {  	v21 =	vmin.u32 v21, $0x1FF;
	v18 =	vnsel vm0, $0x0, v18  }
0x159: {  	v20 =	vmin.u32 v20, $0x1FF;
	v19 =	vmin.u32 v19, $0x1FF;
	v22 =	vcvt.s32.f32 v21  }
0x15a: {  	v24 =	vcvt.s32.f32 v20;
	v18 =	vmin.u32 v18, $0x1FF;
	v25 =	vcvt.s32.f32 v19  }
0x15b: {  	v20 =	vshll.u32 v20, $0x9;
	v43 =	vcvt.s32.f32 v18;
	v23 =	vmul.f32 v17, v7  }
0x15c: {  	v18 =	vshll.u32 v18, $0x9;
	v40 =	vmul.f32 v17, v11;
	v22 =	vsub.f32 v16, v22  }
0x15d: {  	v20 =	vor.u32 v0, v20;
	v41 =	vsub.f32 v15, v24;
	v14 =	vadd.f32 v23, v14  }
0x15e: {  	v42 =	vsub.f32 v16, v25;
	v55 =	vor.u32 v0, v18;
	v13 =	vadd.f32 v40, v13  }
0x15f: {  	v56 =	vor.u32 v19, v20;
	v15 =	vsub.f32 v15, v43;
	v44 =	vshrl.u32 v14, $0x10  }
0x160: {  	v22 =	vand.u32 $0x7FFFFFFF, v22;
	v45 =	vshrl.u32 v13, $0x10;
	v24 =	vand.u32 $0x1, v44  }
0x161: {  	v23 =	vand.u32 $0x7FFFFFFF, v41;
	v46 =	vand.u32 $0x1, v45;
	v14 =	vadd.s32 v24, v14  }
0x162: {  	v16 =	vand.u32 $0x7FFFFFFF, v42;
	v13 =	vadd.s32 v46, v13;
	v14 =	vadd.s32 $0x7FFF, v14  }
0x163: {  	v22 =	vsub.f32 $1.000000000e+00, v22;
	v13 =	vadd.s32 $0x7FFF, v13;
	v14 =	vand.u32 $0xFFFF0000, v14  }
0x164: {  	v47 =	vsub.f32 $1.000000000e+00, v23;
	v13 =	vand.u32 $0xFFFF0000, v13;
	v14 =	vmul.f32 $2.560000000e+02, v14  }
0x165: {  	v15 =	vand.u32 $0x7FFFFFFF, v15;
	v16 =	vsub.f32 $1.000000000e+00, v16;
	v13 =	vmul.f32 $2.560000000e+02, v13  }
0x166: {  	v19 =	vor.u32 v19, v55;
	v15 =	vsub.f32 $1.000000000e+00, v15;
	v14 =	vadd.f32 $2.560000000e+02, v14  }
0x167: {  	v22 =	vmax.f32 v22, $0.0e+00;
	v17 =	vmax.f32 v47, $0.0e+00;
	v13 =	vadd.f32 $2.560000000e+02, v13  }
0x168: {  	v16 =	vmax.f32 v16, $0.0e+00;
	v48 =	vmul.f32 v17, v22;
	v49 =	vtrunc.f32 v14  }
0x169: {  	v15 =	vmax.f32 v15, $0.0e+00;
	v26 =	vtrunc.f32 v13;
	v50 =	vcvt.f32.s32 v49  }
0x16a: {  	vm11 =	vlt.f32 v14, v49;
	v51 =	vcvt.f32.s32 v26;
	vm1 =	vlt.f32 v13, v26  }
0x16b: {  	v17 =	vmul.f32 v17, v16;
	v52 =	vsel vm11, $0xFFFFFFFF, v1;
	v27 =	vsel vm1, $0xFFFFFFFF, v1  }
0x16c: {  	v16 =	vmul.f32 v15, v16;
	v25 =	vadd.s32 v50, v52;
	v24 =	vadd.s32 v51, v27  }
0x16d: {  	vm12 =	vgt.s32 v25, $0x0;
	v26 =	vadd.s32 $0x1, v25;
	v27 =	vadd.s32 $0x1, v24  }
0x16e: {  	vm15 =	vgt.s32 v24, $0x0;
	vm13 =	vgt.s32 v26, $0x0;
	vm14 =	vgt.s32 v27, $0x0  }
0x16f: {  	v25 =	vnsel vm12, $0x0, v25;
	v26 =	vnsel vm13, $0x0, v26;
	v27 =	vnsel vm14, $0x0, v27  }
0x170: {  	v24 =	vnsel vm15, $0x0, v24;
	v26 =	vmin.u32 v26, $0x1FF;
	v27 =	vmin.u32 v27, $0x1FF  }
0x171: {  	v25 =	vmin.u32 v25, $0x1FF;
	v28 =	vcvt.s32.f32 v26;
	v53 =	vcvt.s32.f32 v27  }
0x172: {  	v15 =	vmul.f32 v22, v15;
	v24 =	vmin.u32 v24, $0x1FF;
	v29 =	vcvt.s32.f32 v25  }
0x173: {  	[tilespmem:s11+$0x700] =	vst v56;
	v54 =	vcvt.s32.f32 v24;
	v28 =	vsub.f32 v14, v28;
	v22 =	vsub.f32 v13, v53  }
0x174: {  	[tilespmem:s11+$0x300] =	vst v19;
	v14 =	vsub.f32 v14, v29  }
0x175: {  	[tilespmem:s11+$0x1100] =	vst v48;
	v13 =	vsub.f32 v13, v54;
	v57 =	vand.u32 $0x7FFFFFFF, v28;
	v22 =	vand.u32 $0x7FFFFFFF, v22  }
0x176: {  	[tilespmem:s11+$0xF00] =	vst v17;
	v14 =	vand.u32 $0x7FFFFFFF, v14;
	v58 =	vsub.f32 $1.000000000e+00, v57;
	v59 =	vsub.f32 $1.000000000e+00, v22  }
0x177: {  	[tilespmem:s11+$0xD00] =	vst v15;
	v15 =	vor.u32 v21, v20;
	v13 =	vand.u32 $0x7FFFFFFF, v13;
	v14 =	vsub.f32 $1.000000000e+00, v14  }
0x178: {  	[tilespmem:s11+$0x900] =	vst v15;
	v13 =	vsub.f32 $1.000000000e+00, v13;
	v15 =	vmax.f32 v58, $0.0e+00;
	v60 =	vmax.f32 v59, $0.0e+00  }
0x179: {  	v17 =	vor.u32 v21, v55;
	[tilespmem:s11+$0xB00] =	vst v16;
	v14 =	vmax.f32 v14, $0.0e+00;
	v61 =	vmul.f32 v60, v15  }
0x17a: {  	[tilespmem:s11+$0x500] =	vst v17;
	v13 =	vmax.f32 v13, $0.0e+00;
	v16 =	vmul.f32 v60, v14  }
0x17b: {  	v15 =	vmul.f32 v15, v13;
	[tilespmem:s5+$0x1100] =	vst v61  }
0x17c: {  	v62 =	vshll.u32 v27, $0x9;
	v13 =	vmul.f32 v13, v14;
	[tilespmem:s5+$0xF00] =	vst v16  }
0x17d: {  	v14 =	vor.u32 v0, v62;
	[tilespmem:s5+$0xD00] =	vst v15  }
0x17e: {  	v63 =	vor.u32 v25, v14;
	v15 =	vshll.u32 v24, $0x9;
	[tilespmem:s5+$0xB00] =	vst v13  }
0x17f: {  	v14 =	vor.u32 v26, v14;
	[tilespmem:s5+$0x700] =	vst v63;
	v13 =	vor.u32 v0, v15  }
0x180: {  	[tilespmem:s5+$0x900] =	vst v14;
	v15 =	vor.u32 v25, v13  }
0x181: {  	v13 =	vor.u32 v26, v13;
	[tilespmem:s5+$0x300] =	vst v15  }
0x182: {  	s15 =	simm.s32 $0x300;
	s16 =	simm.s32 $0x1300;
	[tilespmem:s5+$0x500] =	vst v13  }
0x183: {  	[tilespmem:s16], [sflag:$0x1] =	stream.indirect.gather [hbm4b:s1+s14], $0x1, s15, s14, $0xb8;
	[tilespmem:$0x3700] =	vst v63  }
0x184: {  	_ = 	snop  }
0x185: {  	[tilespmem:s18], [sflag:$0x1] =	stream.indirect.gather [hbm4b:s1+s14], $0x1, s17, s14, $0xb8;
	[tilespmem:$0x3700] =	vst v63  }
0x186: {  	_ = 	snop  }
0x187: {  	[tilespmem:s20], [sflag:$0x1] =	stream.indirect.gather [hbm4b:s1+s14], $0x1, s19, s14, $0xb8;
	[tilespmem:$0x3700] =	vst v63  }
0x188: {  	_ = 	snop  }
0x189: {  	[tilespmem:s22], [sflag:$0x1] =	stream.indirect.gather [hbm4b:s1+s14], $0x1, s21, s14, $0xb8;
	[tilespmem:$0x3700] =	vst v63  }
.LBB2_12:
0x18a: {  	_ =	swait.ge [sflag:s7], $0x200  }
0x18b: {  	[sflag:s7] =	ssyncset.done $0x0  }
0x18c: {  	[sflag:s7] =	ssyncadd.s32 $0xFFFFFE00  }
0x18d: {  	_ =	swait.ge [sflag:s7], $0x200  }
0x18e: {  	[sflag:s7] =	ssyncset.done $0x0  }
0x18f: {  	[sflag:s7] =	ssyncadd.s32 $0xFFFFFE00  }
0x190: {  	_ =	swait.ge [sflag:s7], $0x200  }
0x191: {  	[sflag:s7] =	ssyncset.done $0x0  }
0x192: {  	[sflag:s7] =	ssyncadd.s32 $0xFFFFFE00  }
0x193: {  	_ =	swait.ge [sflag:s7], $0x200  }
0x194: {  	[sflag:s7] =	ssyncset.done $0x0  }
0x195: {  	s5 =	simm.s32 @!p0 $0x2;
	[sflag:s7] =	ssyncadd.s32 $0xFFFFFE00  }
0x196: {  	_ =	swait.ge @!p0 [sflag:s5], $0x200  }
0x197: {  	[sflag:s5] =	ssyncset.done @!p0 $0x0  }
0x198: {  	[sflag:s5] =	ssyncadd.s32 @!p0 $0xFFFFFE00;
	s5 =	simm.s32 $0x0  }
0x199: {  	v16 =	vld [tilespmem:s5+$0x2D00]  }
0x19a: {  	v17 =	vld [tilespmem:s5+$0x2500]  }
0x19b: {  	v18 =	vld [tilespmem:s5+$0x2F00]  }
0x19c: {  	v19 =	vld [tilespmem:s5+$0x2700]  }
0x19d: {  	v20 =	vld [tilespmem:s5+$0x3100]  }
0x19e: {  	v21 =	vld [tilespmem:s5+$0x2900]  }
0x19f: {  	v13 =	vld [tilespmem:s5+$0x3300]  }
0x1a0: {  	s11 =	simm.s32 $0x10;
	v15 =	vld [tilespmem:s5+$0x2B00]  }
0x1a1: {  	v14 =	vld [tilespmem:s11+$0x2D00];
	v22 =	vmul.f32 v17, v16;
	v18 =	vmul.f32 v19, v18  }
0x1a2: {  	v16 =	vld [tilespmem:s11+$0x2500]  }
0x1a3: {  	s13 =	simm.s32 $0x80;
	v17 =	vld [tilespmem:s11+$0x2F00];
	v19 =	vmul.f32 v21, v20;
	v18 =	vadd.f32 v18, v22  }
.LBB2_13:
0x1a4: {  	p0 =	sne.s32 s13, $0x7C0;
	v20 =	vld [tilespmem:s11+$0x2700]  }
0x1a5: {  	v21 =	vld [tilespmem:s11+$0x3100];
	v18 =	vadd.f32 v19, v18;
	v15 =	vmul.f32 v15, v13  }
0x1a6: {  	v19 =	vld [tilespmem:s11+$0x2900]  }
.Ltmp5:
0x1a7: {  	v13 =	vld [tilespmem:s11+$0x3300];
	v18 =	vadd.f32 v15, v18;
	(pc) =	sbr.rel @p0 .LBB2_13-.Ltmp5, $4  }
0x1a8: {  	s15 =	sshra.s32 s13, $0x2;
	v15 =	vld [tilespmem:s11+$0x2B00]  }
0x1a9: {  	v22 =	vmul.f32 v16, v14;
	v14 =	vld [tilespmem:s15+$0x2D00];
	v20 =	vmul.f32 v20, v17;
	v17 =	vmax.f32 v18, $0.0e+00  }
0x1aa: {  	v16 =	vld [tilespmem:s15+$0x2500];
	v23 =	vmin.f32 v17, $1.000000000e+00  }
0x1ab: {  	s13 =	sadd.s32 $0x40, s13;
	v17 =	vld [tilespmem:s15+$0x2F00];
	v18 =	vadd.f32 v20, v22;
	v19 =	vmul.f32 v19, v21;
	[tilespmem:s5+$0x3500] =	vst v23;
	s5 =	smov.u32 s11;
	s11 =	smov.u32 s15  }
0x1ac: {  	v20 =	vld [tilespmem:s11+$0x2700]  }
0x1ad: {  	v21 =	vld [tilespmem:s11+$0x3100]  }
0x1ae: {  	v22 =	vld [tilespmem:s11+$0x2900]  }
0x1af: {  	v23 =	vld [tilespmem:s11+$0x3300]  }
0x1b0: {  	v24 =	vld [tilespmem:s11+$0x2B00]  }
0x1b1: {  	v14 =	vmul.f32 v16, v14;
	v61 =	vmul.f32 v20, v17;
	_ =	sdelay $0x1  }
0x1b2: {  	v62 =	vmul.f32 v22, v21;
	v14 =	vadd.f32 v61, v14  }
0x1b3: {  	v63 =	vadd.f32 v19, v18;
	v13 =	vmul.f32 v15, v13  }
0x1b4: {  	v15 =	vmul.f32 v24, v23;
	v14 =	vadd.f32 v62, v14  }
0x1b5: {  	s6 =	sadd.s32 $0x1, s6;
	v13 =	vadd.f32 v13, v63  }
0x1b6: {  	p0 =	sne.s32 s6, $0x80;
	v14 =	vadd.f32 v15, v14  }
.Ltmp6:
0x1b7: {  	s10 =	sshll.u32 s10, $0x9;
	v13 =	vmax.f32 v13, $0.0e+00;
	(pc) =	sbr.rel @p0 .LBB2_4-.Ltmp6, $4  }
0x1b8: {  	s10 =	sadd.s32 s9, s10;
	v13 =	vmin.f32 v13, $1.000000000e+00;
	v14 =	vmax.f32 v14, $0.0e+00  }
0x1b9: {  	s16 =	sshrl.u32 s10, $0x3;
	[tilespmem:s5+$0x3500] =	vst v13;
	v13 =	vmin.f32 v14, $1.000000000e+00  }
0x1ba: {  	s5 =	sadd.s32 s3, s16;
	[tilespmem:s11+$0x3500] =	vst v13  }
0x1bb: {  	[hbm4b:s5+s4] =	stream.linear.scatter [tilespmem:s12], [sflag:$0x2], $0x200, $0x38;
	[tilespmem:$0x3700] =	vst v63  }
0x1bc: {  	s6 =	simm.s32 $0x2  }
0x1bd: {  	_ =	swait.ge [sflag:s6], $0x200  }
0x1be: {  	[sflag:s6] =	ssyncset.done $0x0  }
0x1bf: {  	[sflag:s6] =	ssyncadd.s32 $0xFFFFFE00  }
0x1c0: {  	_ =	swait.ge [sflag:s6], $0x200  }
0x1c1: {  	s10 =	rddreg [dreg:$0x8]  }
0x1c2: {  	s5 =	rddreg [dreg:$0x6];
	s10 =	sadd.s32 $0x1, s10  }
0x1c3: {  	p0 =	sne.s32 s10, s5  }
.Ltmp7:
0x1c4: {  	_ = 	snop;
	(pc) =	sbr.rel @p0 .LBB2_1-.Ltmp7, $3  }
0x1c5: {  	_ =	sdelay $0x1  }
0x1c6: {  	[sflag:s6] =	ssyncset.done $0x0  }
0x1c7: {  	[sflag:s6] =	ssyncadd.s32 $0xFFFFFE00  }
0x1c8: {  	_ =	sfence.sel $0x180000  }
0x1c9: {  	[bflag:$0x0] =	sbarrier.arrive $0xFFFF  }
0x1ca: {  	_ =	strace $0x90000047  }
0x1cb: {  	s0 =	stileid.u32;
	[bflag:$0x2] =	sbarrier.arrive $0xFFFF  }
0x1cc: {  	p0 =	sne.s32 s0, $0x0;
	s0 =	rddreg [dreg:$0x3]  }
0x1cd: {  	s0 =	sadd.s32 @!p0 $0x100000, s0  }
0x1ce: {  	[sflag:s0] =	ssyncadd.tile.s32 @!p0 $0x1;
	_ =	shalt  }
.Lfunc_end2:
_tile_overlayer_lowered:
.L_overlay_start_2:
0x1cf: {  	(tag) =	ssettag $0x2  }
0x1d0: {  	s0 =	rddreg [dreg:$0x0];
	s2 =	stileid.u32  }
0x1d1: {  	s1 =	rddreg [dreg:$0x1];
	p0 =	sne.s32 s2, $0x0  }
0x1d2: {  	s3 =	rddreg [dreg:$0x2];
	[bflag:$0x3] =	sbarrier.arrive $0xFFFF;
	s2 =	simm.s32 @!p0 $0x1C03  }
0x1d3: {  	[timem:s3], [sflag:s2] =	dma.local @!p0 [hbm:s0], s1  }
0x1d4: {  	s0 =	simm.s32 @!p0 $0x3  }
0x1d5: {  	_ =	swait.ge @!p0 [sflag:s0], s1  }
0x1d6: {  	s1 =	ssub.s32 @!p0 $0x0, s1;
	[sflag:s0] =	ssyncset.done @!p0 $0x0  }
0x1d7: {  	[sflag:s0] =	ssyncadd.s32 @!p0 s1  }
0x1d8: {  	[bflag:$0x3] =	sbarrier.arrive $0xFFFF  }
0x1d9: {  	_ =	shalt  }

</sc_bundles>
